<compile_context>
chip_gen: v7x
topology: tpu7x:2x2x1
jax: 0.10.2.dev20260603
libtpu: 0.0.44.dev20260713+nightly
codegen_flags: <defaults>
</compile_context>

<pallas_src>
import functools

import jax
import jax.numpy as jnp
from jax import lax
from jax.experimental import pallas as pl
from jax.experimental.pallas import tpu as pltpu
from jax.experimental.pallas import tpu_sc as plsc

N = 10000
E = 320000
D = 128
R = 32

NC = 2
NS = 16
LANES = 16
NTILES = NC * NS
EPT = E // NTILES
EB = 80
NB = EPT // EB
TOTB = E // EB
ACCW = 144
SCOL = ACCW - 1
NPAD = 10240
ROWS_PER_TILE = NPAD // NS


def _prep_body(x_ref, w_ref, wr_ref, a_ref, rel_ref, xta_ref, dtab_ref,
               rc_ref):
    x = x_ref[...]
    w = w_ref[...]
    xt = lax.dot_general(x, w, (((1,), (1,)), ((), ())),
                         preferred_element_type=jnp.float32)
    a = a_ref[...]
    s = lax.dot_general(xt, a[:, :D], (((1,), (1,)), ((), ())))
    d = lax.dot_general(a[:, 2 * D:], xt, (((1,), (1,)), ((), ())))
    ones = jnp.ones((N, 1), jnp.float32)
    xta_ref[...] = jnp.concatenate(
        [xt, ones, jnp.zeros((N, ACCW - D - 2), jnp.float32), s], axis=1)
    dtab_ref[...] = d
    a_rel = a[:, D:2 * D]
    v3 = lax.dot_general(a_rel, wr_ref[...], (((1,), (0,)), ((), ())))
    relsc = lax.dot_general(v3, rel_ref[...], (((1,), (1,)), ((), ())))
    c = jnp.max(s) + jnp.max(d) + jnp.max(relsc)
    rc_ref[...] = jnp.concatenate(
        [jnp.concatenate([relsc, jnp.zeros((1, D - R), jnp.float32)], axis=1),
         jnp.full((1, D), c, jnp.float32)], axis=0)


def _prep(x, w, wr, a, rel):
    return pl.pallas_call(
        _prep_body,
        out_shape=[
            jax.ShapeDtypeStruct((N, ACCW), jnp.float32),
            jax.ShapeDtypeStruct((1, N), jnp.float32),
            jax.ShapeDtypeStruct((2, D), jnp.float32),
        ],
    )(x, w, wr, a, rel)


def _edge_body(xta_hbm, dtab_hbm, relc_hbm, cvec_hbm, eidx_hbm, out_hbm,
               rel_v, c_v, d_v, idx0, idx1, rows0, rows1, aeb,
               dstb0, dstb1, acc, sg0, sg1, si0, si1, ss0, ss1):
    cid = lax.axis_index("c")
    sid = lax.axis_index("s")
    wid = cid * NS + sid

    pltpu.sync_copy(relc_hbm, rel_v)
    pltpu.sync_copy(cvec_hbm, c_v)
    pltpu.sync_copy(dtab_hbm.at[0], d_v)
    zv = jnp.zeros((LANES,), jnp.float32)

    def zfill(i, _):
        for j in range(ACCW // LANES):
            rows0[i, pl.ds(j * LANES, LANES)] = zv
        return 0

    lax.fori_loop(0, EB, zfill, 0)

    def zstripe(k, _):
        pltpu.sync_copy(rows0, acc.at[pl.ds(sid * ROWS_PER_TILE + k * EB, EB)])
        return 0

    lax.fori_loop(0, ROWS_PER_TILE // EB, zstripe, 0)
    c16 = c_v[...]
    plsc.subcore_barrier()

    bg0 = wid * NB
    iota = lax.iota(jnp.int32, LANES)

    def stage(b, idx_c, idx_n, rows_c, rows_n, dstb_c,
              dstb_n, sg_c, sg_n, si_c, si_n, ss_c, ss_n, prefetch):
        pltpu.make_async_copy(xta_hbm.at[idx_c.at[0]], rows_c, sg_c).wait()

        if prefetch:
            pltpu.make_async_copy(eidx_hbm.at[bg0 + b + 1], idx_n,
                                  si_n).wait()

            @pl.when(b > 0)
            def _():
                pltpu.make_async_copy(rows_n, acc.at[dstb_n], ss_n).wait()

            pltpu.async_copy(xta_hbm.at[idx_n.at[0]], rows_n, sg_n)

        @plsc.parallel_loop(0, EB // LANES, unroll=EB // LANES)
        def _(j):
            e16 = iota + (j * LANES)
            sv = plsc.load_gather(rows_c, [e16, jnp.full((LANES,), SCOL,
                                                         jnp.int32)])
            dv = plsc.load_gather(d_v, [idx_c[1, pl.ds(j * LANES, LANES)]])
            ti = idx_c[2, pl.ds(j * LANES, LANES)]
            att = sv + dv + plsc.load_gather(rel_v, [ti])
            att = jnp.maximum(att, 0.2 * att)
            aeb[pl.ds(j * LANES, LANES)] = jnp.exp(att - c16)

        @plsc.parallel_loop(0, EB, unroll=4)
        def _(e):
            ab = plsc.load_gather(aeb, [jnp.zeros((LANES,), jnp.int32) + e])
            for jj in range(ACCW // LANES):
                rows_c[e, pl.ds(jj * LANES, LANES)] = (
                    rows_c[e, pl.ds(jj * LANES, LANES)] * ab)

        for j in range(EB // LANES):
            dstb_c[pl.ds(j * LANES, LANES)] = idx_c[1, pl.ds(j * LANES,
                                                             LANES)]
        pltpu.async_copy(rows_c, acc.at[dstb_c], ss_c, add=True)

        if prefetch:
            @pl.when(b + 2 < NB)
            def _():
                pltpu.async_copy(eidx_hbm.at[bg0 + b + 2], idx_c, si_c)

    pltpu.sync_copy(eidx_hbm.at[bg0], idx0)
    pltpu.async_copy(xta_hbm.at[idx0.at[0]], rows0, sg0)
    pltpu.async_copy(eidx_hbm.at[bg0 + 1], idx1, si1)

    def double_body(i, _):
        b0 = 2 * i
        stage(b0, idx0, idx1, rows0, rows1, dstb0, dstb1,
              sg0, sg1, si0, si1, ss0, ss1, True)
        stage(b0 + 1, idx1, idx0, rows1, rows0, dstb1, dstb0,
              sg1, sg0, si1, si0, ss1, ss0, True)
        return 0

    lax.fori_loop(0, (NB - 1) // 2, double_body, 0)
    pltpu.make_async_copy(rows1, acc.at[dstb1], ss1).wait()
    stage(NB - 1, idx0, idx1, rows0, rows1, dstb0, dstb1,
          sg0, sg1, si0, si1, ss0, ss1, False)
    pltpu.make_async_copy(rows0, acc.at[dstb0], ss0).wait()

    plsc.subcore_barrier()
    off = sid * ROWS_PER_TILE
    pltpu.sync_copy(acc.at[pl.ds(off, ROWS_PER_TILE)],
                    out_hbm.at[cid, pl.ds(off, ROWS_PER_TILE)])


_edge_kernel = functools.partial(
    pl.kernel,
    out_type=jax.ShapeDtypeStruct((NC, NPAD, ACCW), jnp.float32),
    mesh=plsc.VectorSubcoreMesh(core_axis_name="c", subcore_axis_name="s",
                                num_cores=NC, num_subcores=NS),
    scratch_types=[
        pltpu.VMEM((R,), jnp.float32),
        pltpu.VMEM((LANES,), jnp.float32),
        pltpu.VMEM((N,), jnp.float32),
        pltpu.VMEM((3, EB), jnp.int32),
        pltpu.VMEM((3, EB), jnp.int32),
        pltpu.VMEM((EB, ACCW), jnp.float32),
        pltpu.VMEM((EB, ACCW), jnp.float32),
        pltpu.VMEM((EB,), jnp.float32),
        pltpu.VMEM((EB,), jnp.int32),
        pltpu.VMEM((EB,), jnp.int32),
        pltpu.VMEM_SHARED((NPAD, ACCW), jnp.float32),
        pltpu.SemaphoreType.DMA,
        pltpu.SemaphoreType.DMA,
        pltpu.SemaphoreType.DMA,
        pltpu.SemaphoreType.DMA,
        pltpu.SemaphoreType.DMA,
        pltpu.SemaphoreType.DMA,
    ],
    compiler_params=pltpu.CompilerParams(needs_layout_passes=False,
                                         use_tc_tiling_on_sc=False),
)(_edge_body)


def _norm_body(acc_ref, out_ref):
    a0 = acc_ref[0]
    a1 = acc_ref[1]
    num = a0[:, :D] + a1[:, :D]
    den = jnp.sum(a0[:, D:D + 8] + a1[:, D:D + 8], axis=1,
                  keepdims=True) + 1e-10
    out_ref[...] = num / den


def _norm(acc):
    blk = 1024
    return pl.pallas_call(
        _norm_body,
        grid=(NPAD // blk,),
        in_specs=[pl.BlockSpec((NC, blk, ACCW), lambda i: (0, i, 0))],
        out_specs=pl.BlockSpec((blk, D), lambda i: (i, 0)),
        out_shape=jax.ShapeDtypeStruct((NPAD, D), jnp.float32),
    )(acc)


def kernel(x, edge_index, edge_type, W, W_r, a, rel_emb):
    src = edge_index[0].astype(jnp.int32)
    dst = edge_index[1].astype(jnp.int32)
    typ = edge_type.astype(jnp.int32)
    eidx = jnp.stack([src, dst, typ], axis=0).reshape(3, TOTB, EB)
    eidx = jnp.transpose(eidx, (1, 0, 2))
    xta, dtab, rc = _prep(x, W, W_r, a, rel_emb)
    relc = rc[0, :R]
    cvec = rc[1, :LANES]
    acc = _edge_kernel(xta, dtab, relc, cvec, eidx)
    return _norm(acc)[:N]

# --- scband reference (transcript-rebuilt; emitter-appended) ---
"""Pipeline reference for scband-kgatlayer-52441550684531 (READ-ONLY COPY).

The authoritative reference and input builder live on the scoring server;
editing this copy changes nothing except your own understanding.
"""

import jax, jax.numpy as jnp
import numpy as np

N_NODES = 10000
N_EDGES = 320000
IN_DIM = 128
OUT_DIM = 128
N_RELATIONS = 32


def setup_inputs(seed: int = 0) -> dict:
    key = jax.random.key(seed)
    k1, k2, k3, k4, k5, k6, k7 = jax.random.split(key, 7)
    x = jax.random.normal(k1, (N_NODES, IN_DIM), dtype=jnp.float32)
    edge_index = jax.random.randint(k2, (2, N_EDGES), 0, N_NODES, dtype=jnp.int64)
    edge_type = jax.random.randint(k3, (N_EDGES,), 0, N_RELATIONS, dtype=jnp.int64)
    # learned parameters (torch Linear stores weight as [out, in])
    s_w = float(np.sqrt(1.0 / IN_DIM))
    W = jax.random.uniform(k4, (OUT_DIM, IN_DIM), minval=-s_w, maxval=s_w, dtype=jnp.float32)
    W_r = jax.random.uniform(k5, (OUT_DIM, IN_DIM), minval=-s_w, maxval=s_w, dtype=jnp.float32)
    s_a = float(np.sqrt(1.0 / (3 * OUT_DIM)))
    a = jax.random.uniform(k6, (1, 3 * OUT_DIM), minval=-s_a, maxval=s_a, dtype=jnp.float32)
    # xavier_uniform for embedding
    s_e = float(np.sqrt(6.0 / (N_RELATIONS + IN_DIM)))
    rel_emb = jax.random.uniform(k7, (N_RELATIONS, IN_DIM), minval=-s_e, maxval=s_e, dtype=jnp.float32)
    return {"x": x, "edge_index": edge_index, "edge_type": edge_type, "W": W, "W_r": W_r, "a": a, "rel_emb": rel_emb}


def reference(x, edge_index, edge_type, W, W_r, a, rel_emb):
    # dropout is identity in eval mode
    src = edge_index[0]
    dst = edge_index[1]
    xt = x @ W.T
    r = rel_emb[edge_type] @ W_r.T
    cat = jnp.concatenate([xt[src], r, xt[dst]], axis=-1)
    att = jax.nn.leaky_relu(cat @ a.T, negative_slope=0.2).squeeze(-1)
    att = att - att.max()
    att_exp = jnp.exp(att)
    N = x.shape[0]
    att_sum = jnp.zeros((N,), dtype=x.dtype).at[dst].add(att_exp)
    att_norm = att_exp / (att_sum[dst] + 1e-10)
    msg = att_norm[:, None] * xt[src]
    out = jnp.zeros((N, xt.shape[1]), dtype=x.dtype).at[dst].add(msg)
    return out

if __name__ == "__main__":
    import jax
    _d = setup_inputs()
    print(jax.jit(kernel)(*tuple(_d.values())))

</pallas_src>

<mosaic_0001>
#map = affine_map<(d0, d1) -> (0, 0)>
#map1 = affine_map<(d0, d1) -> (0)>
#map2 = affine_map<(d0, d1) -> (0, 0, 0)>
module attributes {stable_mosaic.version = 14 : i64} {
  func.func @_edge_body(%arg0: i32, %arg1: i32, %arg2: memref<10000x144xf32, #tpu.memory_space<hbm>>, %arg3: memref<1x10000xf32, #tpu.memory_space<hbm>>, %arg4: memref<32xf32, #tpu.memory_space<hbm>>, %arg5: memref<16xf32, #tpu.memory_space<hbm>>, %arg6: memref<4000x3x80xi32, #tpu.memory_space<hbm>>, %arg7: memref<2x10240x144xf32, #tpu.memory_space<hbm>>, %arg8: memref<32xf32, #tpu.memory_space<vmem>>, %arg9: memref<16xf32, #tpu.memory_space<vmem>>, %arg10: memref<10000xf32, #tpu.memory_space<vmem>>, %arg11: memref<3x80xi32, #tpu.memory_space<vmem>>, %arg12: memref<3x80xi32, #tpu.memory_space<vmem>>, %arg13: memref<80x144xf32, #tpu.memory_space<vmem>>, %arg14: memref<80x144xf32, #tpu.memory_space<vmem>>, %arg15: memref<80xf32, #tpu.memory_space<vmem>>, %arg16: memref<80xi32, #tpu.memory_space<vmem>>, %arg17: memref<80xi32, #tpu.memory_space<vmem>>, %arg18: memref<10240x144xf32, #tpu.memory_space<vmem_shared>>, %arg19: memref<!tpu.dma_semaphore, #tpu.memory_space<semaphore_mem>>, %arg20: memref<!tpu.dma_semaphore, #tpu.memory_space<semaphore_mem>>, %arg21: memref<!tpu.dma_semaphore, #tpu.memory_space<semaphore_mem>>, %arg22: memref<!tpu.dma_semaphore, #tpu.memory_space<semaphore_mem>>, %arg23: memref<!tpu.dma_semaphore, #tpu.memory_space<semaphore_mem>>, %arg24: memref<!tpu.dma_semaphore, #tpu.memory_space<semaphore_mem>>) attributes {dimension_semantics = [#tpu.dimension_semantics<core_parallel>, #tpu.dimension_semantics<subcore_parallel>], iteration_bounds = array<i64: 2, 16>, scalar_prefetch = 0 : i64, scratch_operands = 17 : i64, tpu.core_type = #tpu.core_type<sc_vector_subcore>, window_params = [{transform_indices = #map}, {transform_indices = #map}, {transform_indices = #map1}, {transform_indices = #map1}, {transform_indices = #map2}, {transform_indices = #map2}]} {
    %mul3A = arith.constant 16 : i32
    %mul3A_0 = arith.muli %arg0, %mul3A : i32
    %add3A = arith.addi %mul3A_0, %arg1 : i32
    "tpu.region"() ({
      %run_scoped3A_93 = tpu.sem_alloc : memref<!tpu.dma_semaphore, #tpu.memory_space<semaphore_mem>>
      tpu.enqueue_dma source(%arg4 : memref<32xf32, #tpu.memory_space<hbm>>) target(%arg8 : memref<32xf32, #tpu.memory_space<vmem>>) target_semaphore(%run_scoped3A_93 : memref<!tpu.dma_semaphore, #tpu.memory_space<semaphore_mem>>)
      tpu.wait_dma2 semaphore(%run_scoped3A_93 : memref<!tpu.dma_semaphore, #tpu.memory_space<semaphore_mem>>) src(%arg4 : memref<32xf32, #tpu.memory_space<hbm>>) dst(%arg8 : memref<32xf32, #tpu.memory_space<vmem>>)
      tpu.yield
    }) : () -> ()
    "tpu.region"() ({
      %run_scoped3A_93 = tpu.sem_alloc : memref<!tpu.dma_semaphore, #tpu.memory_space<semaphore_mem>>
      tpu.enqueue_dma source(%arg5 : memref<16xf32, #tpu.memory_space<hbm>>) target(%arg9 : memref<16xf32, #tpu.memory_space<vmem>>) target_semaphore(%run_scoped3A_93 : memref<!tpu.dma_semaphore, #tpu.memory_space<semaphore_mem>>)
      tpu.wait_dma2 semaphore(%run_scoped3A_93 : memref<!tpu.dma_semaphore, #tpu.memory_space<semaphore_mem>>) src(%arg5 : memref<16xf32, #tpu.memory_space<hbm>>) dst(%arg9 : memref<16xf32, #tpu.memory_space<vmem>>)
      tpu.yield
    }) : () -> ()
    %run_scoped3A = arith.constant 0 : i32
    "tpu.region"() ({
      %run_scoped3A_93 = tpu.sem_alloc : memref<!tpu.dma_semaphore, #tpu.memory_space<semaphore_mem>>
      %dma_start3A_94 = arith.constant 0 : i32
      %dma_start3A_95 = tpu.memref_slice %arg3[%run_scoped3A, %dma_start3A_94] : memref<1x10000xf32, #tpu.memory_space<hbm>> -> memref<1x10000xf32, #tpu.memory_space<hbm>>
      %dma_start3A_96 = tpu.memref_squeeze %dma_start3A_95 : memref<1x10000xf32, #tpu.memory_space<hbm>> -> memref<10000xf32, #tpu.memory_space<hbm>>
      %dma_start3A_97 = arith.constant 0 : i32
      %dma_start3A_98 = tpu.memref_slice %arg3[%run_scoped3A, %dma_start3A_97] : memref<1x10000xf32, #tpu.memory_space<hbm>> -> memref<1x10000xf32, #tpu.memory_space<hbm>>
      %dma_start3A_99 = tpu.memref_squeeze %dma_start3A_98 : memref<1x10000xf32, #tpu.memory_space<hbm>> -> memref<10000xf32, #tpu.memory_space<hbm>>
      tpu.enqueue_dma source(%dma_start3A_99 : memref<10000xf32, #tpu.memory_space<hbm>>) target(%arg10 : memref<10000xf32, #tpu.memory_space<vmem>>) target_semaphore(%run_scoped3A_93 : memref<!tpu.dma_semaphore, #tpu.memory_space<semaphore_mem>>)
      %dma_wait3A_100 = arith.constant 0 : i32
      %dma_wait3A_101 = tpu.memref_slice %arg3[%run_scoped3A, %dma_wait3A_100] : memref<1x10000xf32, #tpu.memory_space<hbm>> -> memref<1x10000xf32, #tpu.memory_space<hbm>>
      %dma_wait3A_102 = tpu.memref_squeeze %dma_wait3A_101 : memref<1x10000xf32, #tpu.memory_space<hbm>> -> memref<10000xf32, #tpu.memory_space<hbm>>
      %dma_wait3A_103 = arith.constant 0 : i32
      %dma_wait3A_104 = tpu.memref_slice %arg3[%run_scoped3A, %dma_wait3A_103] : memref<1x10000xf32, #tpu.memory_space<hbm>> -> memref<1x10000xf32, #tpu.memory_space<hbm>>
      %dma_wait3A_105 = tpu.memref_squeeze %dma_wait3A_104 : memref<1x10000xf32, #tpu.memory_space<hbm>> -> memref<10000xf32, #tpu.memory_space<hbm>>
      tpu.wait_dma2 semaphore(%run_scoped3A_93 : memref<!tpu.dma_semaphore, #tpu.memory_space<semaphore_mem>>) src(%dma_wait3A_105 : memref<10000xf32, #tpu.memory_space<hbm>>) dst(%arg10 : memref<10000xf32, #tpu.memory_space<vmem>>)
      tpu.yield
    }) : () -> ()
    %broadcast_in_dim3A = arith.constant 0.000000e+00 : f32
    %broadcast_in_dim3A_1 = vector.broadcast %broadcast_in_dim3A : f32 to vector<16xf32>
    %scan3A = arith.constant 0 : i32
    %scan3A_2 = arith.constant 0 : i32
    %scan3A_3 = arith.constant 80 : i32
    %scan3A_4 = arith.addi %scan3A_2, %scan3A_3 : i32
    %scan3A_5 = arith.constant 1 : i32
    %scan3A_6 = scf.for %scan3A_93 = %scan3A_2 to %scan3A_4 step %scan3A_5 iter_args(%scan3A_94 = %scan3A) -> (i32)  : i32 {
      %swap3A_95 = arith.index_cast %scan3A_93 : i32 to index
      %swap3A_96 = arith.constant 0 : index
      %swap3A_97 = tpu.vector_load %arg13[%swap3A_95, %swap3A_96] {strides = array<i32>} : memref<80x144xf32, #tpu.memory_space<vmem>>, vector<16xf32>,
      tpu.vector_store %arg13[%swap3A_95, %swap3A_96], %broadcast_in_dim3A_1 {strides = array<i32>} : memref<80x144xf32, #tpu.memory_space<vmem>>, vector<16xf32>,
      %swap3A_98 = arith.index_cast %scan3A_93 : i32 to index
      %swap3A_99 = arith.constant 16 : index
      %swap3A_100 = tpu.vector_load %arg13[%swap3A_98, %swap3A_99] {strides = array<i32>} : memref<80x144xf32, #tpu.memory_space<vmem>>, vector<16xf32>,
      tpu.vector_store %arg13[%swap3A_98, %swap3A_99], %broadcast_in_dim3A_1 {strides = array<i32>} : memref<80x144xf32, #tpu.memory_space<vmem>>, vector<16xf32>,
      %swap3A_101 = arith.index_cast %scan3A_93 : i32 to index
      %swap3A_102 = arith.constant 32 : index
      %swap3A_103 = tpu.vector_load %arg13[%swap3A_101, %swap3A_102] {strides = array<i32>} : memref<80x144xf32, #tpu.memory_space<vmem>>, vector<16xf32>,
      tpu.vector_store %arg13[%swap3A_101, %swap3A_102], %broadcast_in_dim3A_1 {strides = array<i32>} : memref<80x144xf32, #tpu.memory_space<vmem>>, vector<16xf32>,
      %swap3A_104 = arith.index_cast %scan3A_93 : i32 to index
      %swap3A_105 = arith.constant 48 : index
      %swap3A_106 = tpu.vector_load %arg13[%swap3A_104, %swap3A_105] {strides = array<i32>} : memref<80x144xf32, #tpu.memory_space<vmem>>, vector<16xf32>,
      tpu.vector_store %arg13[%swap3A_104, %swap3A_105], %broadcast_in_dim3A_1 {strides = array<i32>} : memref<80x144xf32, #tpu.memory_space<vmem>>, vector<16xf32>,
      %swap3A_107 = arith.index_cast %scan3A_93 : i32 to index
      %swap3A_108 = arith.constant 64 : index
      %swap3A_109 = tpu.vector_load %arg13[%swap3A_107, %swap3A_108] {strides = array<i32>} : memref<80x144xf32, #tpu.memory_space<vmem>>, vector<16xf32>,
      tpu.vector_store %arg13[%swap3A_107, %swap3A_108], %broadcast_in_dim3A_1 {strides = array<i32>} : memref<80x144xf32, #tpu.memory_space<vmem>>, vector<16xf32>,
      %swap3A_110 = arith.index_cast %scan3A_93 : i32 to index
      %swap3A_111 = arith.constant 80 : index
      %swap3A_112 = tpu.vector_load %arg13[%swap3A_110, %swap3A_111] {strides = array<i32>} : memref<80x144xf32, #tpu.memory_space<vmem>>, vector<16xf32>,
      tpu.vector_store %arg13[%swap3A_110, %swap3A_111], %broadcast_in_dim3A_1 {strides = array<i32>} : memref<80x144xf32, #tpu.memory_space<vmem>>, vector<16xf32>,
      %swap3A_113 = arith.index_cast %scan3A_93 : i32 to index
      %swap3A_114 = arith.constant 96 : index
      %swap3A_115 = tpu.vector_load %arg13[%swap3A_113, %swap3A_114] {strides = array<i32>} : memref<80x144xf32, #tpu.memory_space<vmem>>, vector<16xf32>,
      tpu.vector_store %arg13[%swap3A_113, %swap3A_114], %broadcast_in_dim3A_1 {strides = array<i32>} : memref<80x144xf32, #tpu.memory_space<vmem>>, vector<16xf32>,
      %swap3A_116 = arith.index_cast %scan3A_93 : i32 to index
      %swap3A_117 = arith.constant 112 : index
      %swap3A_118 = tpu.vector_load %arg13[%swap3A_116, %swap3A_117] {strides = array<i32>} : memref<80x144xf32, #tpu.memory_space<vmem>>, vector<16xf32>,
      tpu.vector_store %arg13[%swap3A_116, %swap3A_117], %broadcast_in_dim3A_1 {strides = array<i32>} : memref<80x144xf32, #tpu.memory_space<vmem>>, vector<16xf32>,
      %swap3A_119 = arith.index_cast %scan3A_93 : i32 to index
      %swap3A_120 = arith.constant 128 : index
      %swap3A_121 = tpu.vector_load %arg13[%swap3A_119, %swap3A_120] {strides = array<i32>} : memref<80x144xf32, #tpu.memory_space<vmem>>, vector<16xf32>,
      tpu.vector_store %arg13[%swap3A_119, %swap3A_120], %broadcast_in_dim3A_1 {strides = array<i32>} : memref<80x144xf32, #tpu.memory_space<vmem>>, vector<16xf32>,
      %scan3A_122 = arith.constant 0 : i32
      scf.yield %scan3A_122 : i32
    }
    %scan3A_7 = arith.constant 80 : i32
    %scan3A_8 = arith.constant 0 : i32
    %scan3A_9 = arith.constant 0 : i32
    %scan3A_10 = arith.constant 8 : i32
    %scan3A_11 = arith.addi %scan3A_9, %scan3A_10 : i32
    %scan3A_12 = arith.constant 1 : i32
    %scan3A_13 = scf.for %scan3A_93 = %scan3A_9 to %scan3A_11 step %scan3A_12 iter_args(%scan3A_94 = %scan3A_8) -> (i32)  : i32 {
      %mul3A_95 = arith.constant 640 : i32
      %mul3A_96 = arith.muli %arg1, %mul3A_95 : i32
      %mul3A_97 = arith.constant 80 : i32
      %mul3A_98 = arith.muli %scan3A_93, %mul3A_97 : i32
      %add3A_99 = arith.addi %mul3A_96, %mul3A_98 : i32
      "tpu.region"() ({
        %run_scoped3A_101 = tpu.sem_alloc : memref<!tpu.dma_semaphore, #tpu.memory_space<semaphore_mem>>
        %dma_start3A_102 = arith.constant 0 : i32
        %dma_start3A_103 = tpu.memref_slice %arg18[%add3A_99, %dma_start3A_102] : memref<10240x144xf32, #tpu.memory_space<vmem_shared>> -> memref<80x144xf32, #tpu.memory_space<vmem_shared>>
        %dma_start3A_104 = arith.constant 0 : i32
        %dma_start3A_105 = tpu.memref_slice %arg18[%add3A_99, %dma_start3A_104] : memref<10240x144xf32, #tpu.memory_space<vmem_shared>> -> memref<80x144xf32, #tpu.memory_space<vmem_shared>>
        tpu.enqueue_dma source(%arg13 : memref<80x144xf32, #tpu.memory_space<vmem>>) target(%dma_start3A_105 : memref<80x144xf32, #tpu.memory_space<vmem_shared>>) target_semaphore(%run_scoped3A_101 : memref<!tpu.dma_semaphore, #tpu.memory_space<semaphore_mem>>)
        %dma_wait3A_106 = arith.constant 0 : i32
        %dma_wait3A_107 = tpu.memref_slice %arg18[%add3A_99, %dma_wait3A_106] : memref<10240x144xf32, #tpu.memory_space<vmem_shared>> -> memref<80x144xf32, #tpu.memory_space<vmem_shared>>
        %dma_wait3A_108 = arith.constant 0 : i32
        %dma_wait3A_109 = tpu.memref_slice %arg18[%add3A_99, %dma_wait3A_108] : memref<10240x144xf32, #tpu.memory_space<vmem_shared>> -> memref<80x144xf32, #tpu.memory_space<vmem_shared>>
        tpu.wait_dma2 semaphore(%run_scoped3A_101 : memref<!tpu.dma_semaphore, #tpu.memory_space<semaphore_mem>>) src(%arg13 : memref<80x144xf32, #tpu.memory_space<vmem>>) dst(%dma_wait3A_109 : memref<80x144xf32, #tpu.memory_space<vmem_shared>>)
        tpu.yield
      }) : () -> ()
      %scan3A_100 = arith.constant 0 : i32
      scf.yield %scan3A_100 : i32
    }
    %scan3A_14 = arith.constant 8 : i32
    %get3A = arith.constant 0 : index
    %get3A_15 = tpu.vector_load %arg9[%get3A] {strides = array<i32>} : memref<16xf32, #tpu.memory_space<vmem>>, vector<16xf32>,
    %barrier3A = arith.constant 0 : index
    tpu.barrier barrier_id(%barrier3A)
    %mul3A_16 = arith.constant 125 : i32
    %mul3A_17 = arith.muli %add3A, %mul3A_16 : i32
    %iota3A = tpu.iota {dimensions = array<i32: 0>} : vector<16xi32>
    "tpu.region"() ({
      %run_scoped3A_93 = tpu.sem_alloc : memref<!tpu.dma_semaphore, #tpu.memory_space<semaphore_mem>>
      %dma_start3A_94 = arith.constant 0 : i32
      %dma_start3A_95 = arith.constant 0 : i32
      %dma_start3A_96 = tpu.memref_slice %arg6[%mul3A_17, %dma_start3A_94, %dma_start3A_95] : memref<4000x3x80xi32, #tpu.memory_space<hbm>> -> memref<1x3x80xi32, #tpu.memory_space<hbm>>
      %dma_start3A_97 = tpu.memref_squeeze %dma_start3A_96 : memref<1x3x80xi32, #tpu.memory_space<hbm>> -> memref<3x80xi32, #tpu.memory_space<hbm>>
      %dma_start3A_98 = arith.constant 0 : i32
      %dma_start3A_99 = arith.constant 0 : i32
      %dma_start3A_100 = tpu.memref_slice %arg6[%mul3A_17, %dma_start3A_98, %dma_start3A_99] : memref<4000x3x80xi32, #tpu.memory_space<hbm>> -> memref<1x3x80xi32, #tpu.memory_space<hbm>>
      %dma_start3A_101 = tpu.memref_squeeze %dma_start3A_100 : memref<1x3x80xi32, #tpu.memory_space<hbm>> -> memref<3x80xi32, #tpu.memory_space<hbm>>
      tpu.enqueue_dma source(%dma_start3A_101 : memref<3x80xi32, #tpu.memory_space<hbm>>) target(%arg11 : memref<3x80xi32, #tpu.memory_space<vmem>>) target_semaphore(%run_scoped3A_93 : memref<!tpu.dma_semaphore, #tpu.memory_space<semaphore_mem>>)
      %dma_wait3A_102 = arith.constant 0 : i32
      %dma_wait3A_103 = arith.constant 0 : i32
      %dma_wait3A_104 = tpu.memref_slice %arg6[%mul3A_17, %dma_wait3A_102, %dma_wait3A_103] : memref<4000x3x80xi32, #tpu.memory_space<hbm>> -> memref<1x3x80xi32, #tpu.memory_space<hbm>>
      %dma_wait3A_105 = tpu.memref_squeeze %dma_wait3A_104 : memref<1x3x80xi32, #tpu.memory_space<hbm>> -> memref<3x80xi32, #tpu.memory_space<hbm>>
      %dma_wait3A_106 = arith.constant 0 : i32
      %dma_wait3A_107 = arith.constant 0 : i32
      %dma_wait3A_108 = tpu.memref_slice %arg6[%mul3A_17, %dma_wait3A_106, %dma_wait3A_107] : memref<4000x3x80xi32, #tpu.memory_space<hbm>> -> memref<1x3x80xi32, #tpu.memory_space<hbm>>
      %dma_wait3A_109 = tpu.memref_squeeze %dma_wait3A_108 : memref<1x3x80xi32, #tpu.memory_space<hbm>> -> memref<3x80xi32, #tpu.memory_space<hbm>>
      tpu.wait_dma2 semaphore(%run_scoped3A_93 : memref<!tpu.dma_semaphore, #tpu.memory_space<semaphore_mem>>) src(%dma_wait3A_109 : memref<3x80xi32, #tpu.memory_space<hbm>>) dst(%arg11 : memref<3x80xi32, #tpu.memory_space<vmem>>)
      tpu.yield
    }) : () -> ()
    %dma_start3A = arith.constant 0 : i32
    %dma_start3A_18 = arith.constant 0 : i32
    %dma_start3A_19 = tpu.memref_slice %arg11[%dma_start3A, %dma_start3A_18] : memref<3x80xi32, #tpu.memory_space<vmem>> -> memref<1x80xi32, #tpu.memory_space<vmem>>
    %dma_start3A_20 = tpu.memref_squeeze %dma_start3A_19 : memref<1x80xi32, #tpu.memory_space<vmem>> -> memref<80xi32, #tpu.memory_space<vmem>>
    %dma_start3A_21 = arith.constant 0 : i32
    %dma_start3A_22 = arith.constant 0 : i32
    %dma_start3A_23 = tpu.memref_slice %arg2[%dma_start3A_21, %dma_start3A_22] : memref<10000x144xf32, #tpu.memory_space<hbm>> -> memref<10000x144xf32, #tpu.memory_space<hbm>>
    tpu.enqueue_indirect_dma source(%dma_start3A_23 : memref<10000x144xf32, #tpu.memory_space<hbm>>) target(%arg13 : memref<80x144xf32, #tpu.memory_space<vmem>>) offsets(%dma_start3A_20 : memref<80xi32, #tpu.memory_space<vmem>>) semaphore(%arg19 : memref<!tpu.dma_semaphore, #tpu.memory_space<semaphore_mem>>)
    %add3A_24 = arith.constant 1 : i32
    %add3A_25 = arith.addi %mul3A_17, %add3A_24 : i32
    %dma_start3A_26 = arith.constant 0 : i32
    %dma_start3A_27 = arith.constant 0 : i32
    %dma_start3A_28 = tpu.memref_slice %arg6[%add3A_25, %dma_start3A_26, %dma_start3A_27] : memref<4000x3x80xi32, #tpu.memory_space<hbm>> -> memref<1x3x80xi32, #tpu.memory_space<hbm>>
    %dma_start3A_29 = tpu.memref_squeeze %dma_start3A_28 : memref<1x3x80xi32, #tpu.memory_space<hbm>> -> memref<3x80xi32, #tpu.memory_space<hbm>>
    %dma_start3A_30 = arith.constant 0 : i32
    %dma_start3A_31 = arith.constant 0 : i32
    %dma_start3A_32 = tpu.memref_slice %arg6[%add3A_25, %dma_start3A_30, %dma_start3A_31] : memref<4000x3x80xi32, #tpu.memory_space<hbm>> -> memref<1x3x80xi32, #tpu.memory_space<hbm>>
    %dma_start3A_33 = tpu.memref_squeeze %dma_start3A_32 : memref<1x3x80xi32, #tpu.memory_space<hbm>> -> memref<3x80xi32, #tpu.memory_space<hbm>>
    tpu.enqueue_dma source(%dma_start3A_33 : memref<3x80xi32, #tpu.memory_space<hbm>>) target(%arg12 : memref<3x80xi32, #tpu.memory_space<vmem>>) target_semaphore(%arg22 : memref<!tpu.dma_semaphore, #tpu.memory_space<semaphore_mem>>)
    %scan3A_34 = arith.constant 0 : i32
    %scan3A_35 = arith.constant 0 : i32
    %scan3A_36 = arith.constant 62 : i32
    %scan3A_37 = arith.addi %scan3A_35, %scan3A_36 : i32
    %scan3A_38 = arith.constant 1 : i32
    %scan3A_39 = scf.for %scan3A_93 = %scan3A_35 to %scan3A_37 step %scan3A_38 iter_args(%scan3A_94 = %scan3A_34) -> (i32)  : i32 {
      %mul3A_95 = arith.constant 2 : i32
      %mul3A_96 = arith.muli %mul3A_95, %scan3A_93 : i32
      %dma_wait3A_97 = arith.constant 0 : i32
      %dma_wait3A_98 = arith.constant 0 : i32
      %dma_wait3A_99 = tpu.memref_slice %arg11[%dma_wait3A_97, %dma_wait3A_98] : memref<3x80xi32, #tpu.memory_space<vmem>> -> memref<1x80xi32, #tpu.memory_space<vmem>>
      %dma_wait3A_100 = tpu.memref_squeeze %dma_wait3A_99 : memref<1x80xi32, #tpu.memory_space<vmem>> -> memref<80xi32, #tpu.memory_space<vmem>>
      %dma_wait3A_101 = arith.constant 0 : i32
      %dma_wait3A_102 = arith.constant 0 : i32
      %dma_wait3A_103 = tpu.memref_slice %arg2[%dma_wait3A_101, %dma_wait3A_102] : memref<10000x144xf32, #tpu.memory_space<hbm>> -> memref<10000x144xf32, #tpu.memory_space<hbm>>
      tpu.wait_indirect_dma semaphore(%arg19 : memref<!tpu.dma_semaphore, #tpu.memory_space<semaphore_mem>>) src(%dma_wait3A_103 : memref<10000x144xf32, #tpu.memory_space<hbm>>) dst(%arg13 : memref<80x144xf32, #tpu.memory_space<vmem>>)
      %add3A_104 = arith.addi %mul3A_17, %mul3A_96 : i32
      %add3A_105 = arith.constant 1 : i32
      %add3A_106 = arith.addi %add3A_104, %add3A_105 : i32
      %dma_wait3A_107 = arith.constant 0 : i32
      %dma_wait3A_108 = arith.constant 0 : i32
      %dma_wait3A_109 = tpu.memref_slice %arg6[%add3A_106, %dma_wait3A_107, %dma_wait3A_108] : memref<4000x3x80xi32, #tpu.memory_space<hbm>> -> memref<1x3x80xi32, #tpu.memory_space<hbm>>
      %dma_wait3A_110 = tpu.memref_squeeze %dma_wait3A_109 : memref<1x3x80xi32, #tpu.memory_space<hbm>> -> memref<3x80xi32, #tpu.memory_space<hbm>>
      %dma_wait3A_111 = arith.constant 0 : i32
      %dma_wait3A_112 = arith.constant 0 : i32
      %dma_wait3A_113 = tpu.memref_slice %arg6[%add3A_106, %dma_wait3A_111, %dma_wait3A_112] : memref<4000x3x80xi32, #tpu.memory_space<hbm>> -> memref<1x3x80xi32, #tpu.memory_space<hbm>>
      %dma_wait3A_114 = tpu.memref_squeeze %dma_wait3A_113 : memref<1x3x80xi32, #tpu.memory_space<hbm>> -> memref<3x80xi32, #tpu.memory_space<hbm>>
      tpu.wait_dma2 semaphore(%arg22 : memref<!tpu.dma_semaphore, #tpu.memory_space<semaphore_mem>>) src(%dma_wait3A_114 : memref<3x80xi32, #tpu.memory_space<hbm>>) dst(%arg12 : memref<3x80xi32, #tpu.memory_space<vmem>>)
      %gt3A = arith.constant 0 : i32
      %gt3A_115 = arith.cmpi sgt, %mul3A_96, %gt3A : i32
      %convert_element_type3A = arith.extui %gt3A_115 : i1 to i32
      %cond3A = arith.constant 0 : i32
      %cond3A_116 = arith.cmpi ne, %convert_element_type3A, %cond3A : i32
      scf.if %cond3A_116 {
        %dma_wait3A_248 = arith.constant 0 : i32
        %dma_wait3A_249 = arith.constant 0 : i32
        %dma_wait3A_250 = tpu.memref_slice %arg18[%dma_wait3A_248, %dma_wait3A_249] : memref<10240x144xf32, #tpu.memory_space<vmem_shared>> -> memref<10240x144xf32, #tpu.memory_space<vmem_shared>>
        tpu.wait_indirect_dma semaphore(%arg24 : memref<!tpu.dma_semaphore, #tpu.memory_space<semaphore_mem>>) src(%arg14 : memref<80x144xf32, #tpu.memory_space<vmem>>) dst(%dma_wait3A_250 : memref<10240x144xf32, #tpu.memory_space<vmem_shared>>)
      } else {
      }
      %dma_start3A_117 = arith.constant 0 : i32
      %dma_start3A_118 = arith.constant 0 : i32
      %dma_start3A_119 = tpu.memref_slice %arg12[%dma_start3A_117, %dma_start3A_118] : memref<3x80xi32, #tpu.memory_space<vmem>> -> memref<1x80xi32, #tpu.memory_space<vmem>>
      %dma_start3A_120 = tpu.memref_squeeze %dma_start3A_119 : memref<1x80xi32, #tpu.memory_space<vmem>> -> memref<80xi32, #tpu.memory_space<vmem>>
      %dma_start3A_121 = arith.constant 0 : i32
      %dma_start3A_122 = arith.constant 0 : i32
      %dma_start3A_123 = tpu.memref_slice %arg2[%dma_start3A_121, %dma_start3A_122] : memref<10000x144xf32, #tpu.memory_space<hbm>> -> memref<10000x144xf32, #tpu.memory_space<hbm>>
      tpu.enqueue_indirect_dma source(%dma_start3A_123 : memref<10000x144xf32, #tpu.memory_space<hbm>>) target(%arg14 : memref<80x144xf32, #tpu.memory_space<vmem>>) offsets(%dma_start3A_120 : memref<80xi32, #tpu.memory_space<vmem>>) semaphore(%arg20 : memref<!tpu.dma_semaphore, #tpu.memory_space<semaphore_mem>>)
      %parallel_loop3A_124 = arith.constant 0 : i32
      %parallel_loop3A_125 = arith.constant 5 : i32
      %parallel_loop3A_126 = arith.constant 1 : i32
      scf.for %parallel_loop3A_248 = %parallel_loop3A_124 to %parallel_loop3A_125 step %parallel_loop3A_126  : i32 {
        %parallel_loop3A_249 = arith.constant 16 : i32
        %parallel_loop3A_250 = arith.muli %parallel_loop3A_248, %parallel_loop3A_249 : i32
        %parallel_loop3A_251 = vector.broadcast %parallel_loop3A_250 : i32 to vector<16xi32>
        %parallel_loop3A_252 = arith.addi %iota3A, %parallel_loop3A_251 : vector<16xi32>
        %parallel_loop3A_253 = arith.constant 143 : i32
        %parallel_loop3A_254 = vector.broadcast %parallel_loop3A_253 : i32 to vector<16xi32>
        %parallel_loop3A_255 = tpu.vector_load_idx %arg13[%parallel_loop3A_252, %parallel_loop3A_254] : memref<80x144xf32, #tpu.memory_space<vmem>>[vector<16xi32>, vector<16xi32>], vector<16xf32>,
        %parallel_loop3A_256 = arith.constant 16 : i32
        %parallel_loop3A_257 = arith.muli %parallel_loop3A_248, %parallel_loop3A_256 : i32
        %parallel_loop3A_258 = arith.constant 1 : i32
        %parallel_loop3A_259 = arith.index_cast %parallel_loop3A_258 : i32 to index
        %parallel_loop3A_260 = arith.index_cast %parallel_loop3A_257 : i32 to index
        %parallel_loop3A_261 = tpu.vector_load %arg11[%parallel_loop3A_259, %parallel_loop3A_260] {strides = array<i32>} : memref<3x80xi32, #tpu.memory_space<vmem>>, vector<16xi32>,
        %parallel_loop3A_262 = tpu.vector_load_idx %arg10[%parallel_loop3A_261] : memref<10000xf32, #tpu.memory_space<vmem>>[vector<16xi32>], vector<16xf32>,
        %parallel_loop3A_263 = arith.constant 16 : i32
        %parallel_loop3A_264 = arith.muli %parallel_loop3A_248, %parallel_loop3A_263 : i32
        %parallel_loop3A_265 = arith.constant 2 : i32
        %parallel_loop3A_266 = arith.index_cast %parallel_loop3A_265 : i32 to index
        %parallel_loop3A_267 = arith.index_cast %parallel_loop3A_264 : i32 to index
        %parallel_loop3A_268 = tpu.vector_load %arg11[%parallel_loop3A_266, %parallel_loop3A_267] {strides = array<i32>} : memref<3x80xi32, #tpu.memory_space<vmem>>, vector<16xi32>,
        %parallel_loop3A_269 = arith.addf %parallel_loop3A_255, %parallel_loop3A_262 : vector<16xf32>
        %parallel_loop3A_270 = tpu.vector_load_idx %arg8[%parallel_loop3A_268] : memref<32xf32, #tpu.memory_space<vmem>>[vector<16xi32>], vector<16xf32>,
        %parallel_loop3A_271 = arith.addf %parallel_loop3A_269, %parallel_loop3A_270 : vector<16xf32>
        %parallel_loop3A_272 = arith.constant 2.000000e-01 : f32
        %parallel_loop3A_273 = vector.broadcast %parallel_loop3A_272 : f32 to vector<16xf32>
        %parallel_loop3A_274 = arith.mulf %parallel_loop3A_273, %parallel_loop3A_271 : vector<16xf32>
        %parallel_loop3A_275 = arith.maximumf %parallel_loop3A_271, %parallel_loop3A_274 : vector<16xf32>
        %parallel_loop3A_276 = arith.subf %parallel_loop3A_275, %get3A_15 : vector<16xf32>
        %parallel_loop3A_277 = math.exp %parallel_loop3A_276 : vector<16xf32>
        %parallel_loop3A_278 = arith.constant 16 : i32
        %parallel_loop3A_279 = arith.muli %parallel_loop3A_248, %parallel_loop3A_278 : i32
        %parallel_loop3A_280 = arith.index_cast %parallel_loop3A_279 : i32 to index
        %parallel_loop3A_281 = tpu.vector_load %arg15[%parallel_loop3A_280] {strides = array<i32>} : memref<80xf32, #tpu.memory_space<vmem>>, vector<16xf32>,
        tpu.vector_store %arg15[%parallel_loop3A_280], %parallel_loop3A_277 {strides = array<i32>} : memref<80xf32, #tpu.memory_space<vmem>>, vector<16xf32>,
      } {sc.loop_unroll_factor = 5 : i64, sc.parallel_access}
      %parallel_loop3A_127 = arith.constant 0 : i32
      %parallel_loop3A_128 = arith.constant 80 : i32
      %parallel_loop3A_129 = arith.constant 1 : i32
      scf.for %parallel_loop3A_248 = %parallel_loop3A_127 to %parallel_loop3A_128 step %parallel_loop3A_129  : i32 {
        %parallel_loop3A_249 = arith.constant 0 : i32
        %parallel_loop3A_250 = vector.broadcast %parallel_loop3A_249 : i32 to vector<16xi32>
        %parallel_loop3A_251 = vector.broadcast %parallel_loop3A_248 : i32 to vector<16xi32>
        %parallel_loop3A_252 = arith.addi %parallel_loop3A_250, %parallel_loop3A_251 : vector<16xi32>
        %parallel_loop3A_253 = tpu.vector_load_idx %arg15[%parallel_loop3A_252] : memref<80xf32, #tpu.memory_space<vmem>>[vector<16xi32>], vector<16xf32>,
        %parallel_loop3A_254 = arith.index_cast %parallel_loop3A_248 : i32 to index
        %parallel_loop3A_255 = arith.constant 0 : index
        %parallel_loop3A_256 = tpu.vector_load %arg13[%parallel_loop3A_254, %parallel_loop3A_255] {strides = array<i32>} : memref<80x144xf32, #tpu.memory_space<vmem>>, vector<16xf32>,
        %parallel_loop3A_257 = arith.mulf %parallel_loop3A_256, %parallel_loop3A_253 : vector<16xf32>
        %parallel_loop3A_258 = arith.index_cast %parallel_loop3A_248 : i32 to index
        %parallel_loop3A_259 = arith.constant 0 : index
        %parallel_loop3A_260 = tpu.vector_load %arg13[%parallel_loop3A_258, %parallel_loop3A_259] {strides = array<i32>} : memref<80x144xf32, #tpu.memory_space<vmem>>, vector<16xf32>,
        tpu.vector_store %arg13[%parallel_loop3A_258, %parallel_loop3A_259], %parallel_loop3A_257 {strides = array<i32>} : memref<80x144xf32, #tpu.memory_space<vmem>>, vector<16xf32>,
        %parallel_loop3A_261 = arith.index_cast %parallel_loop3A_248 : i32 to index
        %parallel_loop3A_262 = arith.constant 16 : index
        %parallel_loop3A_263 = tpu.vector_load %arg13[%parallel_loop3A_261, %parallel_loop3A_262] {strides = array<i32>} : memref<80x144xf32, #tpu.memory_space<vmem>>, vector<16xf32>,
        %parallel_loop3A_264 = arith.mulf %parallel_loop3A_263, %parallel_loop3A_253 : vector<16xf32>
        %parallel_loop3A_265 = arith.index_cast %parallel_loop3A_248 : i32 to index
        %parallel_loop3A_266 = arith.constant 16 : index
        %parallel_loop3A_267 = tpu.vector_load %arg13[%parallel_loop3A_265, %parallel_loop3A_266] {strides = array<i32>} : memref<80x144xf32, #tpu.memory_space<vmem>>, vector<16xf32>,
        tpu.vector_store %arg13[%parallel_loop3A_265, %parallel_loop3A_266], %parallel_loop3A_264 {strides = array<i32>} : memref<80x144xf32, #tpu.memory_space<vmem>>, vector<16xf32>,
        %parallel_loop3A_268 = arith.index_cast %parallel_loop3A_248 : i32 to index
        %parallel_loop3A_269 = arith.constant 32 : index
        %parallel_loop3A_270 = tpu.vector_load %arg13[%parallel_loop3A_268, %parallel_loop3A_269] {strides = array<i32>} : memref<80x144xf32, #tpu.memory_space<vmem>>, vector<16xf32>,
        %parallel_loop3A_271 = arith.mulf %parallel_loop3A_270, %parallel_loop3A_253 : vector<16xf32>
        %parallel_loop3A_272 = arith.index_cast %parallel_loop3A_248 : i32 to index
        %parallel_loop3A_273 = arith.constant 32 : index
        %parallel_loop3A_274 = tpu.vector_load %arg13[%parallel_loop3A_272, %parallel_loop3A_273] {strides = array<i32>} : memref<80x144xf32, #tpu.memory_space<vmem>>, vector<16xf32>,
        tpu.vector_store %arg13[%parallel_loop3A_272, %parallel_loop3A_273], %parallel_loop3A_271 {strides = array<i32>} : memref<80x144xf32, #tpu.memory_space<vmem>>, vector<16xf32>,
        %parallel_loop3A_275 = arith.index_cast %parallel_loop3A_248 : i32 to index
        %parallel_loop3A_276 = arith.constant 48 : index
        %parallel_loop3A_277 = tpu.vector_load %arg13[%parallel_loop3A_275, %parallel_loop3A_276] {strides = array<i32>} : memref<80x144xf32, #tpu.memory_space<vmem>>, vector<16xf32>,
        %parallel_loop3A_278 = arith.mulf %parallel_loop3A_277, %parallel_loop3A_253 : vector<16xf32>
        %parallel_loop3A_279 = arith.index_cast %parallel_loop3A_248 : i32 to index
        %parallel_loop3A_280 = arith.constant 48 : index
        %parallel_loop3A_281 = tpu.vector_load %arg13[%parallel_loop3A_279, %parallel_loop3A_280] {strides = array<i32>} : memref<80x144xf32, #tpu.memory_space<vmem>>, vector<16xf32>,
        tpu.vector_store %arg13[%parallel_loop3A_279, %parallel_loop3A_280], %parallel_loop3A_278 {strides = array<i32>} : memref<80x144xf32, #tpu.memory_space<vmem>>, vector<16xf32>,
        %parallel_loop3A_282 = arith.index_cast %parallel_loop3A_248 : i32 to index
        %parallel_loop3A_283 = arith.constant 64 : index
        %parallel_loop3A_284 = tpu.vector_load %arg13[%parallel_loop3A_282, %parallel_loop3A_283] {strides = array<i32>} : memref<80x144xf32, #tpu.memory_space<vmem>>, vector<16xf32>,
        %parallel_loop3A_285 = arith.mulf %parallel_loop3A_284, %parallel_loop3A_253 : vector<16xf32>
        %parallel_loop3A_286 = arith.index_cast %parallel_loop3A_248 : i32 to index
        %parallel_loop3A_287 = arith.constant 64 : index
        %parallel_loop3A_288 = tpu.vector_load %arg13[%parallel_loop3A_286, %parallel_loop3A_287] {strides = array<i32>} : memref<80x144xf32, #tpu.memory_space<vmem>>, vector<16xf32>,
        tpu.vector_store %arg13[%parallel_loop3A_286, %parallel_loop3A_287], %parallel_loop3A_285 {strides = array<i32>} : memref<80x144xf32, #tpu.memory_space<vmem>>, vector<16xf32>,
        %parallel_loop3A_289 = arith.index_cast %parallel_loop3A_248 : i32 to index
        %parallel_loop3A_290 = arith.constant 80 : index
        %parallel_loop3A_291 = tpu.vector_load %arg13[%parallel_loop3A_289, %parallel_loop3A_290] {strides = array<i32>} : memref<80x144xf32, #tpu.memory_space<vmem>>, vector<16xf32>,
        %parallel_loop3A_292 = arith.mulf %parallel_loop3A_291, %parallel_loop3A_253 : vector<16xf32>
        %parallel_loop3A_293 = arith.index_cast %parallel_loop3A_248 : i32 to index
        %parallel_loop3A_294 = arith.constant 80 : index
        %parallel_loop3A_295 = tpu.vector_load %arg13[%parallel_loop3A_293, %parallel_loop3A_294] {strides = array<i32>} : memref<80x144xf32, #tpu.memory_space<vmem>>, vector<16xf32>,
        tpu.vector_store %arg13[%parallel_loop3A_293, %parallel_loop3A_294], %parallel_loop3A_292 {strides = array<i32>} : memref<80x144xf32, #tpu.memory_space<vmem>>, vector<16xf32>,
        %parallel_loop3A_296 = arith.index_cast %parallel_loop3A_248 : i32 to index
        %parallel_loop3A_297 = arith.constant 96 : index
        %parallel_loop3A_298 = tpu.vector_load %arg13[%parallel_loop3A_296, %parallel_loop3A_297] {strides = array<i32>} : memref<80x144xf32, #tpu.memory_space<vmem>>, vector<16xf32>,
        %parallel_loop3A_299 = arith.mulf %parallel_loop3A_298, %parallel_loop3A_253 : vector<16xf32>
        %parallel_loop3A_300 = arith.index_cast %parallel_loop3A_248 : i32 to index
        %parallel_loop3A_301 = arith.constant 96 : index
        %parallel_loop3A_302 = tpu.vector_load %arg13[%parallel_loop3A_300, %parallel_loop3A_301] {strides = array<i32>} : memref<80x144xf32, #tpu.memory_space<vmem>>, vector<16xf32>,
        tpu.vector_store %arg13[%parallel_loop3A_300, %parallel_loop3A_301], %parallel_loop3A_299 {strides = array<i32>} : memref<80x144xf32, #tpu.memory_space<vmem>>, vector<16xf32>,
        %parallel_loop3A_303 = arith.index_cast %parallel_loop3A_248 : i32 to index
        %parallel_loop3A_304 = arith.constant 112 : index
        %parallel_loop3A_305 = tpu.vector_load %arg13[%parallel_loop3A_303, %parallel_loop3A_304] {strides = array<i32>} : memref<80x144xf32, #tpu.memory_space<vmem>>, vector<16xf32>,
        %parallel_loop3A_306 = arith.mulf %parallel_loop3A_305, %parallel_loop3A_253 : vector<16xf32>
        %parallel_loop3A_307 = arith.index_cast %parallel_loop3A_248 : i32 to index
        %parallel_loop3A_308 = arith.constant 112 : index
        %parallel_loop3A_309 = tpu.vector_load %arg13[%parallel_loop3A_307, %parallel_loop3A_308] {strides = array<i32>} : memref<80x144xf32, #tpu.memory_space<vmem>>, vector<16xf32>,
        tpu.vector_store %arg13[%parallel_loop3A_307, %parallel_loop3A_308], %parallel_loop3A_306 {strides = array<i32>} : memref<80x144xf32, #tpu.memory_space<vmem>>, vector<16xf32>,
        %parallel_loop3A_310 = arith.index_cast %parallel_loop3A_248 : i32 to index
        %parallel_loop3A_311 = arith.constant 128 : index
        %parallel_loop3A_312 = tpu.vector_load %arg13[%parallel_loop3A_310, %parallel_loop3A_311] {strides = array<i32>} : memref<80x144xf32, #tpu.memory_space<vmem>>, vector<16xf32>,
        %parallel_loop3A_313 = arith.mulf %parallel_loop3A_312, %parallel_loop3A_253 : vector<16xf32>
        %parallel_loop3A_314 = arith.index_cast %parallel_loop3A_248 : i32 to index
        %parallel_loop3A_315 = arith.constant 128 : index
        %parallel_loop3A_316 = tpu.vector_load %arg13[%parallel_loop3A_314, %parallel_loop3A_315] {strides = array<i32>} : memref<80x144xf32, #tpu.memory_space<vmem>>, vector<16xf32>,
        tpu.vector_store %arg13[%parallel_loop3A_314, %parallel_loop3A_315], %parallel_loop3A_313 {strides = array<i32>} : memref<80x144xf32, #tpu.memory_space<vmem>>, vector<16xf32>,
      } {sc.loop_unroll_factor = 4 : i64, sc.parallel_access}
      %get3A_130 = arith.constant 1 : i32
      %get3A_131 = arith.index_cast %get3A_130 : i32 to index
      %get3A_132 = arith.constant 0 : index
      %get3A_133 = tpu.vector_load %arg11[%get3A_131, %get3A_132] {strides = array<i32>} : memref<3x80xi32, #tpu.memory_space<vmem>>, vector<16xi32>,
      %swap3A_134 = arith.constant 0 : index
      %swap3A_135 = tpu.vector_load %arg16[%swap3A_134] {strides = array<i32>} : memref<80xi32, #tpu.memory_space<vmem>>, vector<16xi32>,
      tpu.vector_store %arg16[%swap3A_134], %get3A_133 {strides = array<i32>} : memref<80xi32, #tpu.memory_space<vmem>>, vector<16xi32>,
      %get3A_136 = arith.constant 1 : i32
      %get3A_137 = arith.index_cast %get3A_136 : i32 to index
      %get3A_138 = arith.constant 16 : index
      %get3A_139 = tpu.vector_load %arg11[%get3A_137, %get3A_138] {strides = array<i32>} : memref<3x80xi32, #tpu.memory_space<vmem>>, vector<16xi32>,
      %swap3A_140 = arith.constant 16 : index
      %swap3A_141 = tpu.vector_load %arg16[%swap3A_140] {strides = array<i32>} : memref<80xi32, #tpu.memory_space<vmem>>, vector<16xi32>,
      tpu.vector_store %arg16[%swap3A_140], %get3A_139 {strides = array<i32>} : memref<80xi32, #tpu.memory_space<vmem>>, vector<16xi32>,
      %get3A_142 = arith.constant 1 : i32
      %get3A_143 = arith.index_cast %get3A_142 : i32 to index
      %get3A_144 = arith.constant 32 : index
      %get3A_145 = tpu.vector_load %arg11[%get3A_143, %get3A_144] {strides = array<i32>} : memref<3x80xi32, #tpu.memory_space<vmem>>, vector<16xi32>,
      %swap3A_146 = arith.constant 32 : index
      %swap3A_147 = tpu.vector_load %arg16[%swap3A_146] {strides = array<i32>} : memref<80xi32, #tpu.memory_space<vmem>>, vector<16xi32>,
      tpu.vector_store %arg16[%swap3A_146], %get3A_145 {strides = array<i32>} : memref<80xi32, #tpu.memory_space<vmem>>, vector<16xi32>,
      %get3A_148 = arith.constant 1 : i32
      %get3A_149 = arith.index_cast %get3A_148 : i32 to index
      %get3A_150 = arith.constant 48 : index
      %get3A_151 = tpu.vector_load %arg11[%get3A_149, %get3A_150] {strides = array<i32>} : memref<3x80xi32, #tpu.memory_space<vmem>>, vector<16xi32>,
      %swap3A_152 = arith.constant 48 : index
      %swap3A_153 = tpu.vector_load %arg16[%swap3A_152] {strides = array<i32>} : memref<80xi32, #tpu.memory_space<vmem>>, vector<16xi32>,
      tpu.vector_store %arg16[%swap3A_152], %get3A_151 {strides = array<i32>} : memref<80xi32, #tpu.memory_space<vmem>>, vector<16xi32>,
      %get3A_154 = arith.constant 1 : i32
      %get3A_155 = arith.index_cast %get3A_154 : i32 to index
      %get3A_156 = arith.constant 64 : index
      %get3A_157 = tpu.vector_load %arg11[%get3A_155, %get3A_156] {strides = array<i32>} : memref<3x80xi32, #tpu.memory_space<vmem>>, vector<16xi32>,
      %swap3A_158 = arith.constant 64 : index
      %swap3A_159 = tpu.vector_load %arg16[%swap3A_158] {strides = array<i32>} : memref<80xi32, #tpu.memory_space<vmem>>, vector<16xi32>,
      tpu.vector_store %arg16[%swap3A_158], %get3A_157 {strides = array<i32>} : memref<80xi32, #tpu.memory_space<vmem>>, vector<16xi32>,
      %dma_start3A_160 = arith.constant 0 : i32
      %dma_start3A_161 = arith.constant 0 : i32
      %dma_start3A_162 = tpu.memref_slice %arg18[%dma_start3A_160, %dma_start3A_161] : memref<10240x144xf32, #tpu.memory_space<vmem_shared>> -> memref<10240x144xf32, #tpu.memory_space<vmem_shared>>
      tpu.enqueue_indirect_dma source(%arg13 : memref<80x144xf32, #tpu.memory_space<vmem>>) target(%dma_start3A_162 : memref<10240x144xf32, #tpu.memory_space<vmem_shared>>) offsets(%arg16 : memref<80xi32, #tpu.memory_space<vmem>>) semaphore(%arg23 : memref<!tpu.dma_semaphore, #tpu.memory_space<semaphore_mem>>) {add = true}
      %add3A_163 = arith.constant 2 : i32
      %add3A_164 = arith.addi %mul3A_96, %add3A_163 : i32
      %lt3A = arith.constant 125 : i32
      %lt3A_165 = arith.cmpi slt, %add3A_164, %lt3A : i32
      %convert_element_type3A_166 = arith.extui %lt3A_165 : i1 to i32
      %cond3A_167 = arith.constant 0 : i32
      %cond3A_168 = arith.cmpi ne, %convert_element_type3A_166, %cond3A_167 : i32
      scf.if %cond3A_168 {
        %add3A_248 = arith.addi %mul3A_17, %mul3A_96 : i32
        %add3A_249 = arith.constant 2 : i32
        %add3A_250 = arith.addi %add3A_248, %add3A_249 : i32
        %dma_start3A_251 = arith.constant 0 : i32
        %dma_start3A_252 = arith.constant 0 : i32
        %dma_start3A_253 = tpu.memref_slice %arg6[%add3A_250, %dma_start3A_251, %dma_start3A_252] : memref<4000x3x80xi32, #tpu.memory_space<hbm>> -> memref<1x3x80xi32, #tpu.memory_space<hbm>>
        %dma_start3A_254 = tpu.memref_squeeze %dma_start3A_253 : memref<1x3x80xi32, #tpu.memory_space<hbm>> -> memref<3x80xi32, #tpu.memory_space<hbm>>
        %dma_start3A_255 = arith.constant 0 : i32
        %dma_start3A_256 = arith.constant 0 : i32
        %dma_start3A_257 = tpu.memref_slice %arg6[%add3A_250, %dma_start3A_255, %dma_start3A_256] : memref<4000x3x80xi32, #tpu.memory_space<hbm>> -> memref<1x3x80xi32, #tpu.memory_space<hbm>>
        %dma_start3A_258 = tpu.memref_squeeze %dma_start3A_257 : memref<1x3x80xi32, #tpu.memory_space<hbm>> -> memref<3x80xi32, #tpu.memory_space<hbm>>
        tpu.enqueue_dma source(%dma_start3A_258 : memref<3x80xi32, #tpu.memory_space<hbm>>) target(%arg11 : memref<3x80xi32, #tpu.memory_space<vmem>>) target_semaphore(%arg21 : memref<!tpu.dma_semaphore, #tpu.memory_space<semaphore_mem>>)
      } else {
      }
      %add3A_169 = arith.constant 1 : i32
      %add3A_170 = arith.addi %mul3A_96, %add3A_169 : i32
      %dma_wait3A_171 = arith.constant 0 : i32
      %dma_wait3A_172 = arith.constant 0 : i32
      %dma_wait3A_173 = tpu.memref_slice %arg12[%dma_wait3A_171, %dma_wait3A_172] : memref<3x80xi32, #tpu.memory_space<vmem>> -> memref<1x80xi32, #tpu.memory_space<vmem>>
      %dma_wait3A_174 = tpu.memref_squeeze %dma_wait3A_173 : memref<1x80xi32, #tpu.memory_space<vmem>> -> memref<80xi32, #tpu.memory_space<vmem>>
      %dma_wait3A_175 = arith.constant 0 : i32
      %dma_wait3A_176 = arith.constant 0 : i32
      %dma_wait3A_177 = tpu.memref_slice %arg2[%dma_wait3A_175, %dma_wait3A_176] : memref<10000x144xf32, #tpu.memory_space<hbm>> -> memref<10000x144xf32, #tpu.memory_space<hbm>>
      tpu.wait_indirect_dma semaphore(%arg20 : memref<!tpu.dma_semaphore, #tpu.memory_space<semaphore_mem>>) src(%dma_wait3A_177 : memref<10000x144xf32, #tpu.memory_space<hbm>>) dst(%arg14 : memref<80x144xf32, #tpu.memory_space<vmem>>)
      %add3A_178 = arith.addi %mul3A_17, %add3A_170 : i32
      %add3A_179 = arith.constant 1 : i32
      %add3A_180 = arith.addi %add3A_178, %add3A_179 : i32
      %dma_wait3A_181 = arith.constant 0 : i32
      %dma_wait3A_182 = arith.constant 0 : i32
      %dma_wait3A_183 = tpu.memref_slice %arg6[%add3A_180, %dma_wait3A_181, %dma_wait3A_182] : memref<4000x3x80xi32, #tpu.memory_space<hbm>> -> memref<1x3x80xi32, #tpu.memory_space<hbm>>
      %dma_wait3A_184 = tpu.memref_squeeze %dma_wait3A_183 : memref<1x3x80xi32, #tpu.memory_space<hbm>> -> memref<3x80xi32, #tpu.memory_space<hbm>>
      %dma_wait3A_185 = arith.constant 0 : i32
      %dma_wait3A_186 = arith.constant 0 : i32
      %dma_wait3A_187 = tpu.memref_slice %arg6[%add3A_180, %dma_wait3A_185, %dma_wait3A_186] : memref<4000x3x80xi32, #tpu.memory_space<hbm>> -> memref<1x3x80xi32, #tpu.memory_space<hbm>>
      %dma_wait3A_188 = tpu.memref_squeeze %dma_wait3A_187 : memref<1x3x80xi32, #tpu.memory_space<hbm>> -> memref<3x80xi32, #tpu.memory_space<hbm>>
      tpu.wait_dma2 semaphore(%arg21 : memref<!tpu.dma_semaphore, #tpu.memory_space<semaphore_mem>>) src(%dma_wait3A_188 : memref<3x80xi32, #tpu.memory_space<hbm>>) dst(%arg11 : memref<3x80xi32, #tpu.memory_space<vmem>>)
      %gt3A_189 = arith.constant 0 : i32
      %gt3A_190 = arith.cmpi sgt, %add3A_170, %gt3A_189 : i32
      %convert_element_type3A_191 = arith.extui %gt3A_190 : i1 to i32
      %cond3A_192 = arith.constant 0 : i32
      %cond3A_193 = arith.cmpi ne, %convert_element_type3A_191, %cond3A_192 : i32
      scf.if %cond3A_193 {
        %dma_wait3A_248 = arith.constant 0 : i32
        %dma_wait3A_249 = arith.constant 0 : i32
        %dma_wait3A_250 = tpu.memref_slice %arg18[%dma_wait3A_248, %dma_wait3A_249] : memref<10240x144xf32, #tpu.memory_space<vmem_shared>> -> memref<10240x144xf32, #tpu.memory_space<vmem_shared>>
        tpu.wait_indirect_dma semaphore(%arg23 : memref<!tpu.dma_semaphore, #tpu.memory_space<semaphore_mem>>) src(%arg13 : memref<80x144xf32, #tpu.memory_space<vmem>>) dst(%dma_wait3A_250 : memref<10240x144xf32, #tpu.memory_space<vmem_shared>>)
      } else {
      }
      %dma_start3A_194 = arith.constant 0 : i32
      %dma_start3A_195 = arith.constant 0 : i32
      %dma_start3A_196 = tpu.memref_slice %arg11[%dma_start3A_194, %dma_start3A_195] : memref<3x80xi32, #tpu.memory_space<vmem>> -> memref<1x80xi32, #tpu.memory_space<vmem>>
      %dma_start3A_197 = tpu.memref_squeeze %dma_start3A_196 : memref<1x80xi32, #tpu.memory_space<vmem>> -> memref<80xi32, #tpu.memory_space<vmem>>
      %dma_start3A_198 = arith.constant 0 : i32
      %dma_start3A_199 = arith.constant 0 : i32
      %dma_start3A_200 = tpu.memref_slice %arg2[%dma_start3A_198, %dma_start3A_199] : memref<10000x144xf32, #tpu.memory_space<hbm>> -> memref<10000x144xf32, #tpu.memory_space<hbm>>
      tpu.enqueue_indirect_dma source(%dma_start3A_200 : memref<10000x144xf32, #tpu.memory_space<hbm>>) target(%arg13 : memref<80x144xf32, #tpu.memory_space<vmem>>) offsets(%dma_start3A_197 : memref<80xi32, #tpu.memory_space<vmem>>) semaphore(%arg19 : memref<!tpu.dma_semaphore, #tpu.memory_space<semaphore_mem>>)
      %parallel_loop3A_201 = arith.constant 0 : i32
      %parallel_loop3A_202 = arith.constant 5 : i32
      %parallel_loop3A_203 = arith.constant 1 : i32
      scf.for %parallel_loop3A_248 = %parallel_loop3A_201 to %parallel_loop3A_202 step %parallel_loop3A_203  : i32 {
        %parallel_loop3A_249 = arith.constant 16 : i32
        %parallel_loop3A_250 = arith.muli %parallel_loop3A_248, %parallel_loop3A_249 : i32
        %parallel_loop3A_251 = vector.broadcast %parallel_loop3A_250 : i32 to vector<16xi32>
        %parallel_loop3A_252 = arith.addi %iota3A, %parallel_loop3A_251 : vector<16xi32>
        %parallel_loop3A_253 = arith.constant 143 : i32
        %parallel_loop3A_254 = vector.broadcast %parallel_loop3A_253 : i32 to vector<16xi32>
        %parallel_loop3A_255 = tpu.vector_load_idx %arg14[%parallel_loop3A_252, %parallel_loop3A_254] : memref<80x144xf32, #tpu.memory_space<vmem>>[vector<16xi32>, vector<16xi32>], vector<16xf32>,
        %parallel_loop3A_256 = arith.constant 16 : i32
        %parallel_loop3A_257 = arith.muli %parallel_loop3A_248, %parallel_loop3A_256 : i32
        %parallel_loop3A_258 = arith.constant 1 : i32
        %parallel_loop3A_259 = arith.index_cast %parallel_loop3A_258 : i32 to index
        %parallel_loop3A_260 = arith.index_cast %parallel_loop3A_257 : i32 to index
        %parallel_loop3A_261 = tpu.vector_load %arg12[%parallel_loop3A_259, %parallel_loop3A_260] {strides = array<i32>} : memref<3x80xi32, #tpu.memory_space<vmem>>, vector<16xi32>,
        %parallel_loop3A_262 = tpu.vector_load_idx %arg10[%parallel_loop3A_261] : memref<10000xf32, #tpu.memory_space<vmem>>[vector<16xi32>], vector<16xf32>,
        %parallel_loop3A_263 = arith.constant 16 : i32
        %parallel_loop3A_264 = arith.muli %parallel_loop3A_248, %parallel_loop3A_263 : i32
        %parallel_loop3A_265 = arith.constant 2 : i32
        %parallel_loop3A_266 = arith.index_cast %parallel_loop3A_265 : i32 to index
        %parallel_loop3A_267 = arith.index_cast %parallel_loop3A_264 : i32 to index
        %parallel_loop3A_268 = tpu.vector_load %arg12[%parallel_loop3A_266, %parallel_loop3A_267] {strides = array<i32>} : memref<3x80xi32, #tpu.memory_space<vmem>>, vector<16xi32>,
        %parallel_loop3A_269 = arith.addf %parallel_loop3A_255, %parallel_loop3A_262 : vector<16xf32>
        %parallel_loop3A_270 = tpu.vector_load_idx %arg8[%parallel_loop3A_268] : memref<32xf32, #tpu.memory_space<vmem>>[vector<16xi32>], vector<16xf32>,
        %parallel_loop3A_271 = arith.addf %parallel_loop3A_269, %parallel_loop3A_270 : vector<16xf32>
        %parallel_loop3A_272 = arith.constant 2.000000e-01 : f32
        %parallel_loop3A_273 = vector.broadcast %parallel_loop3A_272 : f32 to vector<16xf32>
        %parallel_loop3A_274 = arith.mulf %parallel_loop3A_273, %parallel_loop3A_271 : vector<16xf32>
        %parallel_loop3A_275 = arith.maximumf %parallel_loop3A_271, %parallel_loop3A_274 : vector<16xf32>
        %parallel_loop3A_276 = arith.subf %parallel_loop3A_275, %get3A_15 : vector<16xf32>
        %parallel_loop3A_277 = math.exp %parallel_loop3A_276 : vector<16xf32>
        %parallel_loop3A_278 = arith.constant 16 : i32
        %parallel_loop3A_279 = arith.muli %parallel_loop3A_248, %parallel_loop3A_278 : i32
        %parallel_loop3A_280 = arith.index_cast %parallel_loop3A_279 : i32 to index
        %parallel_loop3A_281 = tpu.vector_load %arg15[%parallel_loop3A_280] {strides = array<i32>} : memref<80xf32, #tpu.memory_space<vmem>>, vector<16xf32>,
        tpu.vector_store %arg15[%parallel_loop3A_280], %parallel_loop3A_277 {strides = array<i32>} : memref<80xf32, #tpu.memory_space<vmem>>, vector<16xf32>,
      } {sc.loop_unroll_factor = 5 : i64, sc.parallel_access}
      %parallel_loop3A_204 = arith.constant 0 : i32
      %parallel_loop3A_205 = arith.constant 80 : i32
      %parallel_loop3A_206 = arith.constant 1 : i32
      scf.for %parallel_loop3A_248 = %parallel_loop3A_204 to %parallel_loop3A_205 step %parallel_loop3A_206  : i32 {
        %parallel_loop3A_249 = arith.constant 0 : i32
        %parallel_loop3A_250 = vector.broadcast %parallel_loop3A_249 : i32 to vector<16xi32>
        %parallel_loop3A_251 = vector.broadcast %parallel_loop3A_248 : i32 to vector<16xi32>
        %parallel_loop3A_252 = arith.addi %parallel_loop3A_250, %parallel_loop3A_251 : vector<16xi32>
        %parallel_loop3A_253 = tpu.vector_load_idx %arg15[%parallel_loop3A_252] : memref<80xf32, #tpu.memory_space<vmem>>[vector<16xi32>], vector<16xf32>,
        %parallel_loop3A_254 = arith.index_cast %parallel_loop3A_248 : i32 to index
        %parallel_loop3A_255 = arith.constant 0 : index
        %parallel_loop3A_256 = tpu.vector_load %arg14[%parallel_loop3A_254, %parallel_loop3A_255] {strides = array<i32>} : memref<80x144xf32, #tpu.memory_space<vmem>>, vector<16xf32>,
        %parallel_loop3A_257 = arith.mulf %parallel_loop3A_256, %parallel_loop3A_253 : vector<16xf32>
        %parallel_loop3A_258 = arith.index_cast %parallel_loop3A_248 : i32 to index
        %parallel_loop3A_259 = arith.constant 0 : index
        %parallel_loop3A_260 = tpu.vector_load %arg14[%parallel_loop3A_258, %parallel_loop3A_259] {strides = array<i32>} : memref<80x144xf32, #tpu.memory_space<vmem>>, vector<16xf32>,
        tpu.vector_store %arg14[%parallel_loop3A_258, %parallel_loop3A_259], %parallel_loop3A_257 {strides = array<i32>} : memref<80x144xf32, #tpu.memory_space<vmem>>, vector<16xf32>,
        %parallel_loop3A_261 = arith.index_cast %parallel_loop3A_248 : i32 to index
        %parallel_loop3A_262 = arith.constant 16 : index
        %parallel_loop3A_263 = tpu.vector_load %arg14[%parallel_loop3A_261, %parallel_loop3A_262] {strides = array<i32>} : memref<80x144xf32, #tpu.memory_space<vmem>>, vector<16xf32>,
        %parallel_loop3A_264 = arith.mulf %parallel_loop3A_263, %parallel_loop3A_253 : vector<16xf32>
        %parallel_loop3A_265 = arith.index_cast %parallel_loop3A_248 : i32 to index
        %parallel_loop3A_266 = arith.constant 16 : index
        %parallel_loop3A_267 = tpu.vector_load %arg14[%parallel_loop3A_265, %parallel_loop3A_266] {strides = array<i32>} : memref<80x144xf32, #tpu.memory_space<vmem>>, vector<16xf32>,
        tpu.vector_store %arg14[%parallel_loop3A_265, %parallel_loop3A_266], %parallel_loop3A_264 {strides = array<i32>} : memref<80x144xf32, #tpu.memory_space<vmem>>, vector<16xf32>,
        %parallel_loop3A_268 = arith.index_cast %parallel_loop3A_248 : i32 to index
        %parallel_loop3A_269 = arith.constant 32 : index
        %parallel_loop3A_270 = tpu.vector_load %arg14[%parallel_loop3A_268, %parallel_loop3A_269] {strides = array<i32>} : memref<80x144xf32, #tpu.memory_space<vmem>>, vector<16xf32>,
        %parallel_loop3A_271 = arith.mulf %parallel_loop3A_270, %parallel_loop3A_253 : vector<16xf32>
        %parallel_loop3A_272 = arith.index_cast %parallel_loop3A_248 : i32 to index
        %parallel_loop3A_273 = arith.constant 32 : index
        %parallel_loop3A_274 = tpu.vector_load %arg14[%parallel_loop3A_272, %parallel_loop3A_273] {strides = array<i32>} : memref<80x144xf32, #tpu.memory_space<vmem>>, vector<16xf32>,
        tpu.vector_store %arg14[%parallel_loop3A_272, %parallel_loop3A_273], %parallel_loop3A_271 {strides = array<i32>} : memref<80x144xf32, #tpu.memory_space<vmem>>, vector<16xf32>,
        %parallel_loop3A_275 = arith.index_cast %parallel_loop3A_248 : i32 to index
        %parallel_loop3A_276 = arith.constant 48 : index
        %parallel_loop3A_277 = tpu.vector_load %arg14[%parallel_loop3A_275, %parallel_loop3A_276] {strides = array<i32>} : memref<80x144xf32, #tpu.memory_space<vmem>>, vector<16xf32>,
        %parallel_loop3A_278 = arith.mulf %parallel_loop3A_277, %parallel_loop3A_253 : vector<16xf32>
        %parallel_loop3A_279 = arith.index_cast %parallel_loop3A_248 : i32 to index
        %parallel_loop3A_280 = arith.constant 48 : index
        %parallel_loop3A_281 = tpu.vector_load %arg14[%parallel_loop3A_279, %parallel_loop3A_280] {strides = array<i32>} : memref<80x144xf32, #tpu.memory_space<vmem>>, vector<16xf32>,
        tpu.vector_store %arg14[%parallel_loop3A_279, %parallel_loop3A_280], %parallel_loop3A_278 {strides = array<i32>} : memref<80x144xf32, #tpu.memory_space<vmem>>, vector<16xf32>,
        %parallel_loop3A_282 = arith.index_cast %parallel_loop3A_248 : i32 to index
        %parallel_loop3A_283 = arith.constant 64 : index
        %parallel_loop3A_284 = tpu.vector_load %arg14[%parallel_loop3A_282, %parallel_loop3A_283] {strides = array<i32>} : memref<80x144xf32, #tpu.memory_space<vmem>>, vector<16xf32>,
        %parallel_loop3A_285 = arith.mulf %parallel_loop3A_284, %parallel_loop3A_253 : vector<16xf32>
        %parallel_loop3A_286 = arith.index_cast %parallel_loop3A_248 : i32 to index
        %parallel_loop3A_287 = arith.constant 64 : index
        %parallel_loop3A_288 = tpu.vector_load %arg14[%parallel_loop3A_286, %parallel_loop3A_287] {strides = array<i32>} : memref<80x144xf32, #tpu.memory_space<vmem>>, vector<16xf32>,
        tpu.vector_store %arg14[%parallel_loop3A_286, %parallel_loop3A_287], %parallel_loop3A_285 {strides = array<i32>} : memref<80x144xf32, #tpu.memory_space<vmem>>, vector<16xf32>,
        %parallel_loop3A_289 = arith.index_cast %parallel_loop3A_248 : i32 to index
        %parallel_loop3A_290 = arith.constant 80 : index
        %parallel_loop3A_291 = tpu.vector_load %arg14[%parallel_loop3A_289, %parallel_loop3A_290] {strides = array<i32>} : memref<80x144xf32, #tpu.memory_space<vmem>>, vector<16xf32>,
        %parallel_loop3A_292 = arith.mulf %parallel_loop3A_291, %parallel_loop3A_253 : vector<16xf32>
        %parallel_loop3A_293 = arith.index_cast %parallel_loop3A_248 : i32 to index
        %parallel_loop3A_294 = arith.constant 80 : index
        %parallel_loop3A_295 = tpu.vector_load %arg14[%parallel_loop3A_293, %parallel_loop3A_294] {strides = array<i32>} : memref<80x144xf32, #tpu.memory_space<vmem>>, vector<16xf32>,
        tpu.vector_store %arg14[%parallel_loop3A_293, %parallel_loop3A_294], %parallel_loop3A_292 {strides = array<i32>} : memref<80x144xf32, #tpu.memory_space<vmem>>, vector<16xf32>,
        %parallel_loop3A_296 = arith.index_cast %parallel_loop3A_248 : i32 to index
        %parallel_loop3A_297 = arith.constant 96 : index
        %parallel_loop3A_298 = tpu.vector_load %arg14[%parallel_loop3A_296, %parallel_loop3A_297] {strides = array<i32>} : memref<80x144xf32, #tpu.memory_space<vmem>>, vector<16xf32>,
        %parallel_loop3A_299 = arith.mulf %parallel_loop3A_298, %parallel_loop3A_253 : vector<16xf32>
        %parallel_loop3A_300 = arith.index_cast %parallel_loop3A_248 : i32 to index
        %parallel_loop3A_301 = arith.constant 96 : index
        %parallel_loop3A_302 = tpu.vector_load %arg14[%parallel_loop3A_300, %parallel_loop3A_301] {strides = array<i32>} : memref<80x144xf32, #tpu.memory_space<vmem>>, vector<16xf32>,
        tpu.vector_store %arg14[%parallel_loop3A_300, %parallel_loop3A_301], %parallel_loop3A_299 {strides = array<i32>} : memref<80x144xf32, #tpu.memory_space<vmem>>, vector<16xf32>,
        %parallel_loop3A_303 = arith.index_cast %parallel_loop3A_248 : i32 to index
        %parallel_loop3A_304 = arith.constant 112 : index
        %parallel_loop3A_305 = tpu.vector_load %arg14[%parallel_loop3A_303, %parallel_loop3A_304] {strides = array<i32>} : memref<80x144xf32, #tpu.memory_space<vmem>>, vector<16xf32>,
        %parallel_loop3A_306 = arith.mulf %parallel_loop3A_305, %parallel_loop3A_253 : vector<16xf32>
        %parallel_loop3A_307 = arith.index_cast %parallel_loop3A_248 : i32 to index
        %parallel_loop3A_308 = arith.constant 112 : index
        %parallel_loop3A_309 = tpu.vector_load %arg14[%parallel_loop3A_307, %parallel_loop3A_308] {strides = array<i32>} : memref<80x144xf32, #tpu.memory_space<vmem>>, vector<16xf32>,
        tpu.vector_store %arg14[%parallel_loop3A_307, %parallel_loop3A_308], %parallel_loop3A_306 {strides = array<i32>} : memref<80x144xf32, #tpu.memory_space<vmem>>, vector<16xf32>,
        %parallel_loop3A_310 = arith.index_cast %parallel_loop3A_248 : i32 to index
        %parallel_loop3A_311 = arith.constant 128 : index
        %parallel_loop3A_312 = tpu.vector_load %arg14[%parallel_loop3A_310, %parallel_loop3A_311] {strides = array<i32>} : memref<80x144xf32, #tpu.memory_space<vmem>>, vector<16xf32>,
        %parallel_loop3A_313 = arith.mulf %parallel_loop3A_312, %parallel_loop3A_253 : vector<16xf32>
        %parallel_loop3A_314 = arith.index_cast %parallel_loop3A_248 : i32 to index
        %parallel_loop3A_315 = arith.constant 128 : index
        %parallel_loop3A_316 = tpu.vector_load %arg14[%parallel_loop3A_314, %parallel_loop3A_315] {strides = array<i32>} : memref<80x144xf32, #tpu.memory_space<vmem>>, vector<16xf32>,
        tpu.vector_store %arg14[%parallel_loop3A_314, %parallel_loop3A_315], %parallel_loop3A_313 {strides = array<i32>} : memref<80x144xf32, #tpu.memory_space<vmem>>, vector<16xf32>,
      } {sc.loop_unroll_factor = 4 : i64, sc.parallel_access}
      %get3A_207 = arith.constant 1 : i32
      %get3A_208 = arith.index_cast %get3A_207 : i32 to index
      %get3A_209 = arith.constant 0 : index
      %get3A_210 = tpu.vector_load %arg12[%get3A_208, %get3A_209] {strides = array<i32>} : memref<3x80xi32, #tpu.memory_space<vmem>>, vector<16xi32>,
      %swap3A_211 = arith.constant 0 : index
      %swap3A_212 = tpu.vector_load %arg17[%swap3A_211] {strides = array<i32>} : memref<80xi32, #tpu.memory_space<vmem>>, vector<16xi32>,
      tpu.vector_store %arg17[%swap3A_211], %get3A_210 {strides = array<i32>} : memref<80xi32, #tpu.memory_space<vmem>>, vector<16xi32>,
      %get3A_213 = arith.constant 1 : i32
      %get3A_214 = arith.index_cast %get3A_213 : i32 to index
      %get3A_215 = arith.constant 16 : index
      %get3A_216 = tpu.vector_load %arg12[%get3A_214, %get3A_215] {strides = array<i32>} : memref<3x80xi32, #tpu.memory_space<vmem>>, vector<16xi32>,
      %swap3A_217 = arith.constant 16 : index
      %swap3A_218 = tpu.vector_load %arg17[%swap3A_217] {strides = array<i32>} : memref<80xi32, #tpu.memory_space<vmem>>, vector<16xi32>,
      tpu.vector_store %arg17[%swap3A_217], %get3A_216 {strides = array<i32>} : memref<80xi32, #tpu.memory_space<vmem>>, vector<16xi32>,
      %get3A_219 = arith.constant 1 : i32
      %get3A_220 = arith.index_cast %get3A_219 : i32 to index
      %get3A_221 = arith.constant 32 : index
      %get3A_222 = tpu.vector_load %arg12[%get3A_220, %get3A_221] {strides = array<i32>} : memref<3x80xi32, #tpu.memory_space<vmem>>, vector<16xi32>,
      %swap3A_223 = arith.constant 32 : index
      %swap3A_224 = tpu.vector_load %arg17[%swap3A_223] {strides = array<i32>} : memref<80xi32, #tpu.memory_space<vmem>>, vector<16xi32>,
      tpu.vector_store %arg17[%swap3A_223], %get3A_222 {strides = array<i32>} : memref<80xi32, #tpu.memory_space<vmem>>, vector<16xi32>,
      %get3A_225 = arith.constant 1 : i32
      %get3A_226 = arith.index_cast %get3A_225 : i32 to index
      %get3A_227 = arith.constant 48 : index
      %get3A_228 = tpu.vector_load %arg12[%get3A_226, %get3A_227] {strides = array<i32>} : memref<3x80xi32, #tpu.memory_space<vmem>>, vector<16xi32>,
      %swap3A_229 = arith.constant 48 : index
      %swap3A_230 = tpu.vector_load %arg17[%swap3A_229] {strides = array<i32>} : memref<80xi32, #tpu.memory_space<vmem>>, vector<16xi32>,
      tpu.vector_store %arg17[%swap3A_229], %get3A_228 {strides = array<i32>} : memref<80xi32, #tpu.memory_space<vmem>>, vector<16xi32>,
      %get3A_231 = arith.constant 1 : i32
      %get3A_232 = arith.index_cast %get3A_231 : i32 to index
      %get3A_233 = arith.constant 64 : index
      %get3A_234 = tpu.vector_load %arg12[%get3A_232, %get3A_233] {strides = array<i32>} : memref<3x80xi32, #tpu.memory_space<vmem>>, vector<16xi32>,
      %swap3A_235 = arith.constant 64 : index
      %swap3A_236 = tpu.vector_load %arg17[%swap3A_235] {strides = array<i32>} : memref<80xi32, #tpu.memory_space<vmem>>, vector<16xi32>,
      tpu.vector_store %arg17[%swap3A_235], %get3A_234 {strides = array<i32>} : memref<80xi32, #tpu.memory_space<vmem>>, vector<16xi32>,
      %dma_start3A_237 = arith.constant 0 : i32
      %dma_start3A_238 = arith.constant 0 : i32
      %dma_start3A_239 = tpu.memref_slice %arg18[%dma_start3A_237, %dma_start3A_238] : memref<10240x144xf32, #tpu.memory_space<vmem_shared>> -> memref<10240x144xf32, #tpu.memory_space<vmem_shared>>
      tpu.enqueue_indirect_dma source(%arg14 : memref<80x144xf32, #tpu.memory_space<vmem>>) target(%dma_start3A_239 : memref<10240x144xf32, #tpu.memory_space<vmem_shared>>) offsets(%arg17 : memref<80xi32, #tpu.memory_space<vmem>>) semaphore(%arg24 : memref<!tpu.dma_semaphore, #tpu.memory_space<semaphore_mem>>) {add = true}
      %add3A_240 = arith.constant 2 : i32
      %add3A_241 = arith.addi %add3A_170, %add3A_240 : i32
      %lt3A_242 = arith.constant 125 : i32
      %lt3A_243 = arith.cmpi slt, %add3A_241, %lt3A_242 : i32
      %convert_element_type3A_244 = arith.extui %lt3A_243 : i1 to i32
      %cond3A_245 = arith.constant 0 : i32
      %cond3A_246 = arith.cmpi ne, %convert_element_type3A_244, %cond3A_245 : i32
      scf.if %cond3A_246 {
        %add3A_248 = arith.addi %mul3A_17, %add3A_170 : i32
        %add3A_249 = arith.constant 2 : i32
        %add3A_250 = arith.addi %add3A_248, %add3A_249 : i32
        %dma_start3A_251 = arith.constant 0 : i32
        %dma_start3A_252 = arith.constant 0 : i32
        %dma_start3A_253 = tpu.memref_slice %arg6[%add3A_250, %dma_start3A_251, %dma_start3A_252] : memref<4000x3x80xi32, #tpu.memory_space<hbm>> -> memref<1x3x80xi32, #tpu.memory_space<hbm>>
        %dma_start3A_254 = tpu.memref_squeeze %dma_start3A_253 : memref<1x3x80xi32, #tpu.memory_space<hbm>> -> memref<3x80xi32, #tpu.memory_space<hbm>>
        %dma_start3A_255 = arith.constant 0 : i32
        %dma_start3A_256 = arith.constant 0 : i32
        %dma_start3A_257 = tpu.memref_slice %arg6[%add3A_250, %dma_start3A_255, %dma_start3A_256] : memref<4000x3x80xi32, #tpu.memory_space<hbm>> -> memref<1x3x80xi32, #tpu.memory_space<hbm>>
        %dma_start3A_258 = tpu.memref_squeeze %dma_start3A_257 : memref<1x3x80xi32, #tpu.memory_space<hbm>> -> memref<3x80xi32, #tpu.memory_space<hbm>>
        tpu.enqueue_dma source(%dma_start3A_258 : memref<3x80xi32, #tpu.memory_space<hbm>>) target(%arg12 : memref<3x80xi32, #tpu.memory_space<vmem>>) target_semaphore(%arg22 : memref<!tpu.dma_semaphore, #tpu.memory_space<semaphore_mem>>)
      } else {
      }
      %scan3A_247 = arith.constant 0 : i32
      scf.yield %scan3A_247 : i32
    }
    %scan3A_40 = arith.constant 62 : i32
    %dma_wait3A = arith.constant 0 : i32
    %dma_wait3A_41 = arith.constant 0 : i32
    %dma_wait3A_42 = tpu.memref_slice %arg18[%dma_wait3A, %dma_wait3A_41] : memref<10240x144xf32, #tpu.memory_space<vmem_shared>> -> memref<10240x144xf32, #tpu.memory_space<vmem_shared>>
    tpu.wait_indirect_dma semaphore(%arg24 : memref<!tpu.dma_semaphore, #tpu.memory_space<semaphore_mem>>) src(%arg14 : memref<80x144xf32, #tpu.memory_space<vmem>>) dst(%dma_wait3A_42 : memref<10240x144xf32, #tpu.memory_space<vmem_shared>>)
    %dma_wait3A_43 = arith.constant 0 : i32
    %dma_wait3A_44 = arith.constant 0 : i32
    %dma_wait3A_45 = tpu.memref_slice %arg11[%dma_wait3A_43, %dma_wait3A_44] : memref<3x80xi32, #tpu.memory_space<vmem>> -> memref<1x80xi32, #tpu.memory_space<vmem>>
    %dma_wait3A_46 = tpu.memref_squeeze %dma_wait3A_45 : memref<1x80xi32, #tpu.memory_space<vmem>> -> memref<80xi32, #tpu.memory_space<vmem>>
    %dma_wait3A_47 = arith.constant 0 : i32
    %dma_wait3A_48 = arith.constant 0 : i32
    %dma_wait3A_49 = tpu.memref_slice %arg2[%dma_wait3A_47, %dma_wait3A_48] : memref<10000x144xf32, #tpu.memory_space<hbm>> -> memref<10000x144xf32, #tpu.memory_space<hbm>>
    tpu.wait_indirect_dma semaphore(%arg19 : memref<!tpu.dma_semaphore, #tpu.memory_space<semaphore_mem>>) src(%dma_wait3A_49 : memref<10000x144xf32, #tpu.memory_space<hbm>>) dst(%arg13 : memref<80x144xf32, #tpu.memory_space<vmem>>)
    %parallel_loop3A = arith.constant 0 : i32
    %parallel_loop3A_50 = arith.constant 5 : i32
    %parallel_loop3A_51 = arith.constant 1 : i32
    scf.for %parallel_loop3A_93 = %parallel_loop3A to %parallel_loop3A_50 step %parallel_loop3A_51  : i32 {
      %parallel_loop3A_94 = arith.constant 16 : i32
      %parallel_loop3A_95 = arith.muli %parallel_loop3A_93, %parallel_loop3A_94 : i32
      %parallel_loop3A_96 = vector.broadcast %parallel_loop3A_95 : i32 to vector<16xi32>
      %parallel_loop3A_97 = arith.addi %iota3A, %parallel_loop3A_96 : vector<16xi32>
      %parallel_loop3A_98 = arith.constant 143 : i32
      %parallel_loop3A_99 = vector.broadcast %parallel_loop3A_98 : i32 to vector<16xi32>
      %parallel_loop3A_100 = tpu.vector_load_idx %arg13[%parallel_loop3A_97, %parallel_loop3A_99] : memref<80x144xf32, #tpu.memory_space<vmem>>[vector<16xi32>, vector<16xi32>], vector<16xf32>,
      %parallel_loop3A_101 = arith.constant 16 : i32
      %parallel_loop3A_102 = arith.muli %parallel_loop3A_93, %parallel_loop3A_101 : i32
      %parallel_loop3A_103 = arith.constant 1 : i32
      %parallel_loop3A_104 = arith.index_cast %parallel_loop3A_103 : i32 to index
      %parallel_loop3A_105 = arith.index_cast %parallel_loop3A_102 : i32 to index
      %parallel_loop3A_106 = tpu.vector_load %arg11[%parallel_loop3A_104, %parallel_loop3A_105] {strides = array<i32>} : memref<3x80xi32, #tpu.memory_space<vmem>>, vector<16xi32>,
      %parallel_loop3A_107 = tpu.vector_load_idx %arg10[%parallel_loop3A_106] : memref<10000xf32, #tpu.memory_space<vmem>>[vector<16xi32>], vector<16xf32>,
      %parallel_loop3A_108 = arith.constant 16 : i32
      %parallel_loop3A_109 = arith.muli %parallel_loop3A_93, %parallel_loop3A_108 : i32
      %parallel_loop3A_110 = arith.constant 2 : i32
      %parallel_loop3A_111 = arith.index_cast %parallel_loop3A_110 : i32 to index
      %parallel_loop3A_112 = arith.index_cast %parallel_loop3A_109 : i32 to index
      %parallel_loop3A_113 = tpu.vector_load %arg11[%parallel_loop3A_111, %parallel_loop3A_112] {strides = array<i32>} : memref<3x80xi32, #tpu.memory_space<vmem>>, vector<16xi32>,
      %parallel_loop3A_114 = arith.addf %parallel_loop3A_100, %parallel_loop3A_107 : vector<16xf32>
      %parallel_loop3A_115 = tpu.vector_load_idx %arg8[%parallel_loop3A_113] : memref<32xf32, #tpu.memory_space<vmem>>[vector<16xi32>], vector<16xf32>,
      %parallel_loop3A_116 = arith.addf %parallel_loop3A_114, %parallel_loop3A_115 : vector<16xf32>
      %parallel_loop3A_117 = arith.constant 2.000000e-01 : f32
      %parallel_loop3A_118 = vector.broadcast %parallel_loop3A_117 : f32 to vector<16xf32>
      %parallel_loop3A_119 = arith.mulf %parallel_loop3A_118, %parallel_loop3A_116 : vector<16xf32>
      %parallel_loop3A_120 = arith.maximumf %parallel_loop3A_116, %parallel_loop3A_119 : vector<16xf32>
      %parallel_loop3A_121 = arith.subf %parallel_loop3A_120, %get3A_15 : vector<16xf32>
      %parallel_loop3A_122 = math.exp %parallel_loop3A_121 : vector<16xf32>
      %parallel_loop3A_123 = arith.constant 16 : i32
      %parallel_loop3A_124 = arith.muli %parallel_loop3A_93, %parallel_loop3A_123 : i32
      %parallel_loop3A_125 = arith.index_cast %parallel_loop3A_124 : i32 to index
      %parallel_loop3A_126 = tpu.vector_load %arg15[%parallel_loop3A_125] {strides = array<i32>} : memref<80xf32, #tpu.memory_space<vmem>>, vector<16xf32>,
      tpu.vector_store %arg15[%parallel_loop3A_125], %parallel_loop3A_122 {strides = array<i32>} : memref<80xf32, #tpu.memory_space<vmem>>, vector<16xf32>,
    } {sc.loop_unroll_factor = 5 : i64, sc.parallel_access}
    %parallel_loop3A_52 = arith.constant 0 : i32
    %parallel_loop3A_53 = arith.constant 80 : i32
    %parallel_loop3A_54 = arith.constant 1 : i32
    scf.for %parallel_loop3A_93 = %parallel_loop3A_52 to %parallel_loop3A_53 step %parallel_loop3A_54  : i32 {
      %parallel_loop3A_94 = arith.constant 0 : i32
      %parallel_loop3A_95 = vector.broadcast %parallel_loop3A_94 : i32 to vector<16xi32>
      %parallel_loop3A_96 = vector.broadcast %parallel_loop3A_93 : i32 to vector<16xi32>
      %parallel_loop3A_97 = arith.addi %parallel_loop3A_95, %parallel_loop3A_96 : vector<16xi32>
      %parallel_loop3A_98 = tpu.vector_load_idx %arg15[%parallel_loop3A_97] : memref<80xf32, #tpu.memory_space<vmem>>[vector<16xi32>], vector<16xf32>,
      %parallel_loop3A_99 = arith.index_cast %parallel_loop3A_93 : i32 to index
      %parallel_loop3A_100 = arith.constant 0 : index
      %parallel_loop3A_101 = tpu.vector_load %arg13[%parallel_loop3A_99, %parallel_loop3A_100] {strides = array<i32>} : memref<80x144xf32, #tpu.memory_space<vmem>>, vector<16xf32>,
      %parallel_loop3A_102 = arith.mulf %parallel_loop3A_101, %parallel_loop3A_98 : vector<16xf32>
      %parallel_loop3A_103 = arith.index_cast %parallel_loop3A_93 : i32 to index
      %parallel_loop3A_104 = arith.constant 0 : index
      %parallel_loop3A_105 = tpu.vector_load %arg13[%parallel_loop3A_103, %parallel_loop3A_104] {strides = array<i32>} : memref<80x144xf32, #tpu.memory_space<vmem>>, vector<16xf32>,
      tpu.vector_store %arg13[%parallel_loop3A_103, %parallel_loop3A_104], %parallel_loop3A_102 {strides = array<i32>} : memref<80x144xf32, #tpu.memory_space<vmem>>, vector<16xf32>,
      %parallel_loop3A_106 = arith.index_cast %parallel_loop3A_93 : i32 to index
      %parallel_loop3A_107 = arith.constant 16 : index
      %parallel_loop3A_108 = tpu.vector_load %arg13[%parallel_loop3A_106, %parallel_loop3A_107] {strides = array<i32>} : memref<80x144xf32, #tpu.memory_space<vmem>>, vector<16xf32>,
      %parallel_loop3A_109 = arith.mulf %parallel_loop3A_108, %parallel_loop3A_98 : vector<16xf32>
      %parallel_loop3A_110 = arith.index_cast %parallel_loop3A_93 : i32 to index
      %parallel_loop3A_111 = arith.constant 16 : index
      %parallel_loop3A_112 = tpu.vector_load %arg13[%parallel_loop3A_110, %parallel_loop3A_111] {strides = array<i32>} : memref<80x144xf32, #tpu.memory_space<vmem>>, vector<16xf32>,
      tpu.vector_store %arg13[%parallel_loop3A_110, %parallel_loop3A_111], %parallel_loop3A_109 {strides = array<i32>} : memref<80x144xf32, #tpu.memory_space<vmem>>, vector<16xf32>,
      %parallel_loop3A_113 = arith.index_cast %parallel_loop3A_93 : i32 to index
      %parallel_loop3A_114 = arith.constant 32 : index
      %parallel_loop3A_115 = tpu.vector_load %arg13[%parallel_loop3A_113, %parallel_loop3A_114] {strides = array<i32>} : memref<80x144xf32, #tpu.memory_space<vmem>>, vector<16xf32>,
      %parallel_loop3A_116 = arith.mulf %parallel_loop3A_115, %parallel_loop3A_98 : vector<16xf32>
      %parallel_loop3A_117 = arith.index_cast %parallel_loop3A_93 : i32 to index
      %parallel_loop3A_118 = arith.constant 32 : index
      %parallel_loop3A_119 = tpu.vector_load %arg13[%parallel_loop3A_117, %parallel_loop3A_118] {strides = array<i32>} : memref<80x144xf32, #tpu.memory_space<vmem>>, vector<16xf32>,
      tpu.vector_store %arg13[%parallel_loop3A_117, %parallel_loop3A_118], %parallel_loop3A_116 {strides = array<i32>} : memref<80x144xf32, #tpu.memory_space<vmem>>, vector<16xf32>,
      %parallel_loop3A_120 = arith.index_cast %parallel_loop3A_93 : i32 to index
      %parallel_loop3A_121 = arith.constant 48 : index
      %parallel_loop3A_122 = tpu.vector_load %arg13[%parallel_loop3A_120, %parallel_loop3A_121] {strides = array<i32>} : memref<80x144xf32, #tpu.memory_space<vmem>>, vector<16xf32>,
      %parallel_loop3A_123 = arith.mulf %parallel_loop3A_122, %parallel_loop3A_98 : vector<16xf32>
      %parallel_loop3A_124 = arith.index_cast %parallel_loop3A_93 : i32 to index
      %parallel_loop3A_125 = arith.constant 48 : index
      %parallel_loop3A_126 = tpu.vector_load %arg13[%parallel_loop3A_124, %parallel_loop3A_125] {strides = array<i32>} : memref<80x144xf32, #tpu.memory_space<vmem>>, vector<16xf32>,
      tpu.vector_store %arg13[%parallel_loop3A_124, %parallel_loop3A_125], %parallel_loop3A_123 {strides = array<i32>} : memref<80x144xf32, #tpu.memory_space<vmem>>, vector<16xf32>,
      %parallel_loop3A_127 = arith.index_cast %parallel_loop3A_93 : i32 to index
      %parallel_loop3A_128 = arith.constant 64 : index
      %parallel_loop3A_129 = tpu.vector_load %arg13[%parallel_loop3A_127, %parallel_loop3A_128] {strides = array<i32>} : memref<80x144xf32, #tpu.memory_space<vmem>>, vector<16xf32>,
      %parallel_loop3A_130 = arith.mulf %parallel_loop3A_129, %parallel_loop3A_98 : vector<16xf32>
      %parallel_loop3A_131 = arith.index_cast %parallel_loop3A_93 : i32 to index
      %parallel_loop3A_132 = arith.constant 64 : index
      %parallel_loop3A_133 = tpu.vector_load %arg13[%parallel_loop3A_131, %parallel_loop3A_132] {strides = array<i32>} : memref<80x144xf32, #tpu.memory_space<vmem>>, vector<16xf32>,
      tpu.vector_store %arg13[%parallel_loop3A_131, %parallel_loop3A_132], %parallel_loop3A_130 {strides = array<i32>} : memref<80x144xf32, #tpu.memory_space<vmem>>, vector<16xf32>,
      %parallel_loop3A_134 = arith.index_cast %parallel_loop3A_93 : i32 to index
      %parallel_loop3A_135 = arith.constant 80 : index
      %parallel_loop3A_136 = tpu.vector_load %arg13[%parallel_loop3A_134, %parallel_loop3A_135] {strides = array<i32>} : memref<80x144xf32, #tpu.memory_space<vmem>>, vector<16xf32>,
      %parallel_loop3A_137 = arith.mulf %parallel_loop3A_136, %parallel_loop3A_98 : vector<16xf32>
      %parallel_loop3A_138 = arith.index_cast %parallel_loop3A_93 : i32 to index
      %parallel_loop3A_139 = arith.constant 80 : index
      %parallel_loop3A_140 = tpu.vector_load %arg13[%parallel_loop3A_138, %parallel_loop3A_139] {strides = array<i32>} : memref<80x144xf32, #tpu.memory_space<vmem>>, vector<16xf32>,
      tpu.vector_store %arg13[%parallel_loop3A_138, %parallel_loop3A_139], %parallel_loop3A_137 {strides = array<i32>} : memref<80x144xf32, #tpu.memory_space<vmem>>, vector<16xf32>,
      %parallel_loop3A_141 = arith.index_cast %parallel_loop3A_93 : i32 to index
      %parallel_loop3A_142 = arith.constant 96 : index
      %parallel_loop3A_143 = tpu.vector_load %arg13[%parallel_loop3A_141, %parallel_loop3A_142] {strides = array<i32>} : memref<80x144xf32, #tpu.memory_space<vmem>>, vector<16xf32>,
      %parallel_loop3A_144 = arith.mulf %parallel_loop3A_143, %parallel_loop3A_98 : vector<16xf32>
      %parallel_loop3A_145 = arith.index_cast %parallel_loop3A_93 : i32 to index
      %parallel_loop3A_146 = arith.constant 96 : index
      %parallel_loop3A_147 = tpu.vector_load %arg13[%parallel_loop3A_145, %parallel_loop3A_146] {strides = array<i32>} : memref<80x144xf32, #tpu.memory_space<vmem>>, vector<16xf32>,
      tpu.vector_store %arg13[%parallel_loop3A_145, %parallel_loop3A_146], %parallel_loop3A_144 {strides = array<i32>} : memref<80x144xf32, #tpu.memory_space<vmem>>, vector<16xf32>,
      %parallel_loop3A_148 = arith.index_cast %parallel_loop3A_93 : i32 to index
      %parallel_loop3A_149 = arith.constant 112 : index
      %parallel_loop3A_150 = tpu.vector_load %arg13[%parallel_loop3A_148, %parallel_loop3A_149] {strides = array<i32>} : memref<80x144xf32, #tpu.memory_space<vmem>>, vector<16xf32>,
      %parallel_loop3A_151 = arith.mulf %parallel_loop3A_150, %parallel_loop3A_98 : vector<16xf32>
      %parallel_loop3A_152 = arith.index_cast %parallel_loop3A_93 : i32 to index
      %parallel_loop3A_153 = arith.constant 112 : index
      %parallel_loop3A_154 = tpu.vector_load %arg13[%parallel_loop3A_152, %parallel_loop3A_153] {strides = array<i32>} : memref<80x144xf32, #tpu.memory_space<vmem>>, vector<16xf32>,
      tpu.vector_store %arg13[%parallel_loop3A_152, %parallel_loop3A_153], %parallel_loop3A_151 {strides = array<i32>} : memref<80x144xf32, #tpu.memory_space<vmem>>, vector<16xf32>,
      %parallel_loop3A_155 = arith.index_cast %parallel_loop3A_93 : i32 to index
      %parallel_loop3A_156 = arith.constant 128 : index
      %parallel_loop3A_157 = tpu.vector_load %arg13[%parallel_loop3A_155, %parallel_loop3A_156] {strides = array<i32>} : memref<80x144xf32, #tpu.memory_space<vmem>>, vector<16xf32>,
      %parallel_loop3A_158 = arith.mulf %parallel_loop3A_157, %parallel_loop3A_98 : vector<16xf32>
      %parallel_loop3A_159 = arith.index_cast %parallel_loop3A_93 : i32 to index
      %parallel_loop3A_160 = arith.constant 128 : index
      %parallel_loop3A_161 = tpu.vector_load %arg13[%parallel_loop3A_159, %parallel_loop3A_160] {strides = array<i32>} : memref<80x144xf32, #tpu.memory_space<vmem>>, vector<16xf32>,
      tpu.vector_store %arg13[%parallel_loop3A_159, %parallel_loop3A_160], %parallel_loop3A_158 {strides = array<i32>} : memref<80x144xf32, #tpu.memory_space<vmem>>, vector<16xf32>,
    } {sc.loop_unroll_factor = 4 : i64, sc.parallel_access}
    %get3A_55 = arith.constant 1 : i32
    %get3A_56 = arith.index_cast %get3A_55 : i32 to index
    %get3A_57 = arith.constant 0 : index
    %get3A_58 = tpu.vector_load %arg11[%get3A_56, %get3A_57] {strides = array<i32>} : memref<3x80xi32, #tpu.memory_space<vmem>>, vector<16xi32>,
    %swap3A = arith.constant 0 : index
    %swap3A_59 = tpu.vector_load %arg16[%swap3A] {strides = array<i32>} : memref<80xi32, #tpu.memory_space<vmem>>, vector<16xi32>,
    tpu.vector_store %arg16[%swap3A], %get3A_58 {strides = array<i32>} : memref<80xi32, #tpu.memory_space<vmem>>, vector<16xi32>,
    %get3A_60 = arith.constant 1 : i32
    %get3A_61 = arith.index_cast %get3A_60 : i32 to index
    %get3A_62 = arith.constant 16 : index
    %get3A_63 = tpu.vector_load %arg11[%get3A_61, %get3A_62] {strides = array<i32>} : memref<3x80xi32, #tpu.memory_space<vmem>>, vector<16xi32>,
    %swap3A_64 = arith.constant 16 : index
    %swap3A_65 = tpu.vector_load %arg16[%swap3A_64] {strides = array<i32>} : memref<80xi32, #tpu.memory_space<vmem>>, vector<16xi32>,
    tpu.vector_store %arg16[%swap3A_64], %get3A_63 {strides = array<i32>} : memref<80xi32, #tpu.memory_space<vmem>>, vector<16xi32>,
    %get3A_66 = arith.constant 1 : i32
    %get3A_67 = arith.index_cast %get3A_66 : i32 to index
    %get3A_68 = arith.constant 32 : index
    %get3A_69 = tpu.vector_load %arg11[%get3A_67, %get3A_68] {strides = array<i32>} : memref<3x80xi32, #tpu.memory_space<vmem>>, vector<16xi32>,
    %swap3A_70 = arith.constant 32 : index
    %swap3A_71 = tpu.vector_load %arg16[%swap3A_70] {strides = array<i32>} : memref<80xi32, #tpu.memory_space<vmem>>, vector<16xi32>,
    tpu.vector_store %arg16[%swap3A_70], %get3A_69 {strides = array<i32>} : memref<80xi32, #tpu.memory_space<vmem>>, vector<16xi32>,
    %get3A_72 = arith.constant 1 : i32
    %get3A_73 = arith.index_cast %get3A_72 : i32 to index
    %get3A_74 = arith.constant 48 : index
    %get3A_75 = tpu.vector_load %arg11[%get3A_73, %get3A_74] {strides = array<i32>} : memref<3x80xi32, #tpu.memory_space<vmem>>, vector<16xi32>,
    %swap3A_76 = arith.constant 48 : index
    %swap3A_77 = tpu.vector_load %arg16[%swap3A_76] {strides = array<i32>} : memref<80xi32, #tpu.memory_space<vmem>>, vector<16xi32>,
    tpu.vector_store %arg16[%swap3A_76], %get3A_75 {strides = array<i32>} : memref<80xi32, #tpu.memory_space<vmem>>, vector<16xi32>,
    %get3A_78 = arith.constant 1 : i32
    %get3A_79 = arith.index_cast %get3A_78 : i32 to index
    %get3A_80 = arith.constant 64 : index
    %get3A_81 = tpu.vector_load %arg11[%get3A_79, %get3A_80] {strides = array<i32>} : memref<3x80xi32, #tpu.memory_space<vmem>>, vector<16xi32>,
    %swap3A_82 = arith.constant 64 : index
    %swap3A_83 = tpu.vector_load %arg16[%swap3A_82] {strides = array<i32>} : memref<80xi32, #tpu.memory_space<vmem>>, vector<16xi32>,
    tpu.vector_store %arg16[%swap3A_82], %get3A_81 {strides = array<i32>} : memref<80xi32, #tpu.memory_space<vmem>>, vector<16xi32>,
    %dma_start3A_84 = arith.constant 0 : i32
    %dma_start3A_85 = arith.constant 0 : i32
    %dma_start3A_86 = tpu.memref_slice %arg18[%dma_start3A_84, %dma_start3A_85] : memref<10240x144xf32, #tpu.memory_space<vmem_shared>> -> memref<10240x144xf32, #tpu.memory_space<vmem_shared>>
    tpu.enqueue_indirect_dma source(%arg13 : memref<80x144xf32, #tpu.memory_space<vmem>>) target(%dma_start3A_86 : memref<10240x144xf32, #tpu.memory_space<vmem_shared>>) offsets(%arg16 : memref<80xi32, #tpu.memory_space<vmem>>) semaphore(%arg23 : memref<!tpu.dma_semaphore, #tpu.memory_space<semaphore_mem>>) {add = true}
    %dma_wait3A_87 = arith.constant 0 : i32
    %dma_wait3A_88 = arith.constant 0 : i32
    %dma_wait3A_89 = tpu.memref_slice %arg18[%dma_wait3A_87, %dma_wait3A_88] : memref<10240x144xf32, #tpu.memory_space<vmem_shared>> -> memref<10240x144xf32, #tpu.memory_space<vmem_shared>>
    tpu.wait_indirect_dma semaphore(%arg23 : memref<!tpu.dma_semaphore, #tpu.memory_space<semaphore_mem>>) src(%arg13 : memref<80x144xf32, #tpu.memory_space<vmem>>) dst(%dma_wait3A_89 : memref<10240x144xf32, #tpu.memory_space<vmem_shared>>)
    %barrier3A_90 = arith.constant 0 : index
    tpu.barrier barrier_id(%barrier3A_90)
    %mul3A_91 = arith.constant 640 : i32
    %mul3A_92 = arith.muli %arg1, %mul3A_91 : i32
    "tpu.region"() ({
      %run_scoped3A_93 = tpu.sem_alloc : memref<!tpu.dma_semaphore, #tpu.memory_space<semaphore_mem>>
      %dma_start3A_94 = arith.constant 0 : i32
      %dma_start3A_95 = tpu.memref_slice %arg7[%arg0, %mul3A_92, %dma_start3A_94] : memref<2x10240x144xf32, #tpu.memory_space<hbm>> -> memref<1x640x144xf32, #tpu.memory_space<hbm>>
      %dma_start3A_96 = tpu.memref_squeeze %dma_start3A_95 : memref<1x640x144xf32, #tpu.memory_space<hbm>> -> memref<640x144xf32, #tpu.memory_space<hbm>>
      %dma_start3A_97 = arith.constant 0 : i32
      %dma_start3A_98 = tpu.memref_slice %arg18[%mul3A_92, %dma_start3A_97] : memref<10240x144xf32, #tpu.memory_space<vmem_shared>> -> memref<640x144xf32, #tpu.memory_space<vmem_shared>>
      tpu.enqueue_dma source(%dma_start3A_98 : memref<640x144xf32, #tpu.memory_space<vmem_shared>>) target(%dma_start3A_96 : memref<640x144xf32, #tpu.memory_space<hbm>>) target_semaphore(%run_scoped3A_93 : memref<!tpu.dma_semaphore, #tpu.memory_space<semaphore_mem>>)
      %dma_wait3A_99 = arith.constant 0 : i32
      %dma_wait3A_100 = tpu.memref_slice %arg7[%arg0, %mul3A_92, %dma_wait3A_99] : memref<2x10240x144xf32, #tpu.memory_space<hbm>> -> memref<1x640x144xf32, #tpu.memory_space<hbm>>
      %dma_wait3A_101 = tpu.memref_squeeze %dma_wait3A_100 : memref<1x640x144xf32, #tpu.memory_space<hbm>> -> memref<640x144xf32, #tpu.memory_space<hbm>>
      %dma_wait3A_102 = arith.constant 0 : i32
      %dma_wait3A_103 = tpu.memref_slice %arg18[%mul3A_92, %dma_wait3A_102] : memref<10240x144xf32, #tpu.memory_space<vmem_shared>> -> memref<640x144xf32, #tpu.memory_space<vmem_shared>>
      tpu.wait_dma2 semaphore(%run_scoped3A_93 : memref<!tpu.dma_semaphore, #tpu.memory_space<semaphore_mem>>) src(%dma_wait3A_103 : memref<640x144xf32, #tpu.memory_space<vmem_shared>>) dst(%dma_wait3A_101 : memref<640x144xf32, #tpu.memory_space<hbm>>)
      tpu.yield
    }) : () -> ()
    return
  }
}

module attributes {stable_mosaic.version = 14 : i64} {
  func.func @_prep_body(%arg0: memref<10000x128xf32, #tpu.memory_space<vmem>>, %arg1: memref<128x128xf32, #tpu.memory_space<vmem>>, %arg2: memref<128x128xf32, #tpu.memory_space<vmem>>, %arg3: memref<1x384xf32, #tpu.memory_space<vmem>>, %arg4: memref<32x128xf32, #tpu.memory_space<vmem>>, %arg5: memref<10000x144xf32, #tpu.memory_space<vmem>>, %arg6: memref<1x10000xf32, #tpu.memory_space<vmem>>, %arg7: memref<2x128xf32, #tpu.memory_space<vmem>>) attributes {dimension_semantics = [], scalar_prefetch = 0 : i64, scratch_operands = 0 : i64, tpu.core_type = #tpu.core_type<tc>} {
    %get3A = arith.constant 0 : index
    %get3A_0 = arith.constant 0 : index
    %get3A_1 = vector.load %arg0[%get3A, %get3A_0] : memref<10000x128xf32, #tpu.memory_space<vmem>>, vector<10000x128xf32>
    %get3A_2 = arith.constant 0 : index
    %get3A_3 = arith.constant 0 : index
    %get3A_4 = vector.load %arg1[%get3A_2, %get3A_3] : memref<128x128xf32, #tpu.memory_space<vmem>>, vector<128x128xf32>
    %dot_general3A = arith.constant dense<0.000000e+00> : vector<10000x128xf32>
    %dot_general3A_5 = tpu.matmul %get3A_1, %get3A_4, %dot_general3A {dimension_numbers = #tpu.dot_dimension_numbers<[1], [1], [0], [0], [0, 0, 1, 0], [], []>, transpose_lhs_hint = false} : vector<10000x128xf32>, vector<128x128xf32>, vector<10000x128xf32> -> vector<10000x128xf32>
    %get3A_6 = arith.constant 0 : index
    %get3A_7 = arith.constant 0 : index
    %get3A_8 = vector.load %arg3[%get3A_6, %get3A_7] : memref<1x384xf32, #tpu.memory_space<vmem>>, vector<1x384xf32>
    %slice3A = vector.extract_strided_slice %get3A_8 {offsets = [0, 0], sizes = [1, 128], strides = [1, 1]} : vector<1x384xf32> to vector<1x128xf32>
    %dot_general3A_9 = arith.constant dense<0.000000e+00> : vector<10000x1xf32>
    %dot_general3A_10 = tpu.matmul %dot_general3A_5, %slice3A, %dot_general3A_9 {dimension_numbers = #tpu.dot_dimension_numbers<[1], [1], [0], [0], [0, 0, 1, 0], [], []>, transpose_lhs_hint = false} : vector<10000x128xf32>, vector<1x128xf32>, vector<10000x1xf32> -> vector<10000x1xf32>
    %slice3A_11 = vector.extract_strided_slice %get3A_8 {offsets = [0, 256], sizes = [1, 128], strides = [1, 1]} : vector<1x384xf32> to vector<1x128xf32>
    %dot_general3A_12 = arith.constant dense<0.000000e+00> : vector<1x10000xf32>
    %dot_general3A_13 = tpu.matmul %slice3A_11, %dot_general3A_5, %dot_general3A_12 {dimension_numbers = #tpu.dot_dimension_numbers<[1], [1], [0], [0], [0, 0, 1, 0], [], []>, transpose_lhs_hint = false} : vector<1x128xf32>, vector<10000x128xf32>, vector<1x10000xf32> -> vector<1x10000xf32>
    %broadcast_in_dim3A = arith.constant 1.000000e+00 : f32
    %broadcast_in_dim3A_14 = vector.broadcast %broadcast_in_dim3A : f32 to vector<10000x1xf32>
    %broadcast_in_dim3A_15 = arith.constant 0.000000e+00 : f32
    %broadcast_in_dim3A_16 = vector.broadcast %broadcast_in_dim3A_15 : f32 to vector<10000x14xf32>
    %concatenate3A = tpu.concatenate %dot_general3A_5, %broadcast_in_dim3A_14, %broadcast_in_dim3A_16, %dot_general3A_10 in 1 : vector<10000x128xf32>, vector<10000x1xf32>, vector<10000x14xf32>, vector<10000x1xf32> -> vector<10000x144xf32>
    %swap3A = arith.constant 0 : index
    %swap3A_17 = arith.constant 0 : index
    %swap3A_18 = vector.load %arg5[%swap3A, %swap3A_17] : memref<10000x144xf32, #tpu.memory_space<vmem>>, vector<10000x144xf32>
    tpu.vector_store %arg5[%swap3A, %swap3A_17], %concatenate3A {strides = array<i32>} : memref<10000x144xf32, #tpu.memory_space<vmem>>, vector<10000x144xf32>,
    %swap3A_19 = arith.constant 0 : index
    %swap3A_20 = arith.constant 0 : index
    %swap3A_21 = vector.load %arg6[%swap3A_19, %swap3A_20] : memref<1x10000xf32, #tpu.memory_space<vmem>>, vector<1x10000xf32>
    tpu.vector_store %arg6[%swap3A_19, %swap3A_20], %dot_general3A_13 {strides = array<i32>} : memref<1x10000xf32, #tpu.memory_space<vmem>>, vector<1x10000xf32>,
    %slice3A_22 = vector.extract_strided_slice %get3A_8 {offsets = [0, 128], sizes = [1, 128], strides = [1, 1]} : vector<1x384xf32> to vector<1x128xf32>
    %get3A_23 = arith.constant 0 : index
    %get3A_24 = arith.constant 0 : index
    %get3A_25 = vector.load %arg2[%get3A_23, %get3A_24] : memref<128x128xf32, #tpu.memory_space<vmem>>, vector<128x128xf32>
    %dot_general3A_26 = arith.constant dense<0.000000e+00> : vector<1x128xf32>
    %dot_general3A_27 = tpu.matmul %slice3A_22, %get3A_25, %dot_general3A_26 {dimension_numbers = #tpu.dot_dimension_numbers<[1], [0], [0], [1], [0, 0, 1, 1], [], []>, transpose_lhs_hint = false} : vector<1x128xf32>, vector<128x128xf32>, vector<1x128xf32> -> vector<1x128xf32>
    %get3A_28 = arith.constant 0 : index
    %get3A_29 = arith.constant 0 : index
    %get3A_30 = vector.load %arg4[%get3A_28, %get3A_29] : memref<32x128xf32, #tpu.memory_space<vmem>>, vector<32x128xf32>
    %dot_general3A_31 = arith.constant dense<0.000000e+00> : vector<1x32xf32>
    %dot_general3A_32 = tpu.matmul %dot_general3A_27, %get3A_30, %dot_general3A_31 {dimension_numbers = #tpu.dot_dimension_numbers<[1], [1], [0], [0], [0, 0, 1, 0], [], []>, transpose_lhs_hint = false} : vector<1x128xf32>, vector<32x128xf32>, vector<1x32xf32> -> vector<1x32xf32>
    %reduce_max3A = vector.shape_cast %dot_general3A_10 : vector<10000x1xf32> to vector<1x10000x1xf32>
    %reduce_max3A_33 = arith.constant dense<0xFF800000> : vector<1xf32>
    %reduce_max3A_34 = vector.multi_reduction <maximumf>, %reduce_max3A, %reduce_max3A_33 [1, 2] : vector<1x10000x1xf32> to vector<1xf32>
    %reduce_max3A_35 = vector.shape_cast %reduce_max3A_34 : vector<1xf32> to vector<1x1x1xf32>
    %reduce_max3A_36 = vector.extract %reduce_max3A_35[0, 0, 0] : f32 from vector<1x1x1xf32>
    %reduce_max3A_37 = vector.shape_cast %dot_general3A_13 : vector<1x10000xf32> to vector<1x1x10000xf32>
    %reduce_max3A_38 = arith.constant dense<0xFF800000> : vector<1xf32>
    %reduce_max3A_39 = vector.multi_reduction <maximumf>, %reduce_max3A_37, %reduce_max3A_38 [1, 2] : vector<1x1x10000xf32> to vector<1xf32>
    %reduce_max3A_40 = vector.shape_cast %reduce_max3A_39 : vector<1xf32> to vector<1x1x1xf32>
    %reduce_max3A_41 = vector.extract %reduce_max3A_40[0, 0, 0] : f32 from vector<1x1x1xf32>
    %add3A = arith.addf %reduce_max3A_36, %reduce_max3A_41 : f32
    %reduce_max3A_42 = vector.shape_cast %dot_general3A_32 : vector<1x32xf32> to vector<1x1x32xf32>
    %reduce_max3A_43 = arith.constant dense<0xFF800000> : vector<1xf32>
    %reduce_max3A_44 = vector.multi_reduction <maximumf>, %reduce_max3A_42, %reduce_max3A_43 [1, 2] : vector<1x1x32xf32> to vector<1xf32>
    %reduce_max3A_45 = vector.shape_cast %reduce_max3A_44 : vector<1xf32> to vector<1x1x1xf32>
    %reduce_max3A_46 = vector.extract %reduce_max3A_45[0, 0, 0] : f32 from vector<1x1x1xf32>
    %add3A_47 = arith.addf %add3A, %reduce_max3A_46 : f32
    %broadcast_in_dim3A_48 = arith.constant 0.000000e+00 : f32
    %broadcast_in_dim3A_49 = vector.broadcast %broadcast_in_dim3A_48 : f32 to vector<1x96xf32>
    %concatenate3A_50 = tpu.concatenate %dot_general3A_32, %broadcast_in_dim3A_49 in 1 : vector<1x32xf32>, vector<1x96xf32> -> vector<1x128xf32>
    %broadcast_in_dim3A_51 = vector.broadcast %add3A_47 : f32 to vector<1x128xf32>
    %concatenate3A_52 = tpu.concatenate %concatenate3A_50, %broadcast_in_dim3A_51 in 0 : vector<1x128xf32>, vector<1x128xf32> -> vector<2x128xf32>
    %swap3A_53 = arith.constant 0 : index
    %swap3A_54 = arith.constant 0 : index
    %swap3A_55 = vector.load %arg7[%swap3A_53, %swap3A_54] : memref<2x128xf32, #tpu.memory_space<vmem>>, vector<2x128xf32>
    tpu.vector_store %arg7[%swap3A_53, %swap3A_54], %concatenate3A_52 {strides = array<i32>} : memref<2x128xf32, #tpu.memory_space<vmem>>, vector<2x128xf32>,
    return
  }
}

module attributes {stable_mosaic.version = 14 : i64} {
  func.func @_norm_body(%arg0: i32, %arg1: memref<2x1024x144xf32, #tpu.memory_space<vmem>>, %arg2: memref<1024x128xf32, #tpu.memory_space<vmem>>) attributes {dimension_semantics = [#tpu.dimension_semantics<arbitrary>], iteration_bounds = array<i64: 10>, scalar_prefetch = 0 : i64, scratch_operands = 0 : i64, tpu.core_type = #tpu.core_type<tc>, window_params = [{transform_indices = @transform_0, window_bounds = array<i64: 2, 1024, 144>}, {transform_indices = @transform_1, window_bounds = array<i64: 1024, 128>}]} {
    %get3A = arith.constant 0 : index
    %get3A_0 = arith.constant 0 : index
    %get3A_1 = arith.constant 0 : index
    %get3A_2 = vector.load %arg1[%get3A, %get3A_0, %get3A_1] : memref<2x1024x144xf32, #tpu.memory_space<vmem>>, vector<1x1024x144xf32>
    %get3A_3 = vector.shape_cast %get3A_2 : vector<1x1024x144xf32> to vector<1024x144xf32>
    %get3A_4 = arith.constant 1 : index
    %get3A_5 = arith.constant 0 : index
    %get3A_6 = arith.constant 0 : index
    %get3A_7 = vector.load %arg1[%get3A_4, %get3A_5, %get3A_6] : memref<2x1024x144xf32, #tpu.memory_space<vmem>>, vector<1x1024x144xf32>
    %get3A_8 = vector.shape_cast %get3A_7 : vector<1x1024x144xf32> to vector<1024x144xf32>
    %slice3A = vector.extract_strided_slice %get3A_3 {offsets = [0, 0], sizes = [1024, 128], strides = [1, 1]} : vector<1024x144xf32> to vector<1024x128xf32>
    %slice3A_9 = vector.extract_strided_slice %get3A_8 {offsets = [0, 0], sizes = [1024, 128], strides = [1, 1]} : vector<1024x144xf32> to vector<1024x128xf32>
    %add3A = arith.addf %slice3A, %slice3A_9 : vector<1024x128xf32>
    %slice3A_10 = vector.extract_strided_slice %get3A_3 {offsets = [0, 128], sizes = [1024, 8], strides = [1, 1]} : vector<1024x144xf32> to vector<1024x8xf32>
    %slice3A_11 = vector.extract_strided_slice %get3A_8 {offsets = [0, 128], sizes = [1024, 8], strides = [1, 1]} : vector<1024x144xf32> to vector<1024x8xf32>
    %add3A_12 = arith.addf %slice3A_10, %slice3A_11 : vector<1024x8xf32>
    %reduce_sum3A = arith.constant dense<0.000000e+00> : vector<1024xf32>
    %reduce_sum3A_13 = vector.multi_reduction <add>, %add3A_12, %reduce_sum3A [1] : vector<1024x8xf32> to vector<1024xf32>
    %broadcast_in_dim3A = vector.shape_cast %reduce_sum3A_13 : vector<1024xf32> to vector<1024x1xf32>
    %add3A_14 = arith.constant 1.000000e-10 : f32
    %add3A_15 = vector.broadcast %add3A_14 : f32 to vector<1024x1xf32>
    %add3A_16 = arith.addf %broadcast_in_dim3A, %add3A_15 : vector<1024x1xf32>
    %div3A = vector.broadcast %add3A_16 : vector<1024x1xf32> to vector<1024x128xf32>
    %div3A_17 = arith.divf %add3A, %div3A : vector<1024x128xf32>
    %swap3A = arith.constant 0 : index
    %swap3A_18 = arith.constant 0 : index
    %swap3A_19 = vector.load %arg2[%swap3A, %swap3A_18] : memref<1024x128xf32, #tpu.memory_space<vmem>>, vector<1024x128xf32>
    tpu.vector_store %arg2[%swap3A, %swap3A_18], %div3A_17 {strides = array<i32>} : memref<1024x128xf32, #tpu.memory_space<vmem>>, vector<1024x128xf32>,
    return
  }
  func.func @transform_0(%arg0: i32) -> (i32, i32, i32) {
    %c0_i32 = arith.constant 0 : i32
    %c0_i32_0 = arith.constant 0 : i32
    %c0_i32_1 = arith.constant 0 : i32
    return %c0_i32, %arg0, %c0_i32_0 : i32, i32, i32
  }
  func.func @transform_1(%arg0: i32) -> (i32, i32) {
    %c0_i32 = arith.constant 0 : i32
    %c0_i32_0 = arith.constant 0 : i32
    return %arg0, %c0_i32 : i32, i32
  }
}

</mosaic_0001>

<sc_bundles>
// kernel: kernel.5.cloned.1.call-start
scs
__scs_entry_jumppad:
0x0: {  	(pc) =	sbr.rel $0x88, $3  }
0x1: {  	(tag) =	ssettag $0x0;
	lr =	simm.s32 $0x1  }
0x2: {  	[smem:$0x3F9A] =	sst lr;
	_ =	strace $0xD0000000  }
0x3: {  	_ = 	snop  }
0x4: {  	_ = 	snop  }
0x5: {  	_ = 	snop  }
0x6: {  	_ = 	snop  }
0x7: {  	_ = 	snop  }
__scs_overlays_trampoline_lowered:
0x8: {  	[smem:$0x3FA9] =	sst s0  }
0x9: {  	[smem:$0x3FAA] =	sst s1  }
0xa: {  	[smem:$0x3FAB] =	sst s2  }
0xb: {  	[smem:$0x3FAC] =	sst s3  }
0xc: {  	[smem:$0x3FAD] =	sst s4  }
0xd: {  	[smem:$0x3FAE] =	sst s5  }
0xe: {  	[smem:$0x3FAF] =	sst s6  }
0xf: {  	[smem:$0x3FB0] =	sst s7  }
0x10: {  	[smem:$0x3FB1] =	sst s8  }
0x11: {  	[smem:$0x3FB2] =	sst s9;
	s0 =	simm.s32 @!p0 $0x0  }
0x12: {  	s1 =	sld [smem:$0x3F98];
	s0 =	simm.s32 @p0 $0x1  }
0x13: {  	[smem:$0x3FB3] =	sst s0;
	s0 =	simm.s32 @!p1 $0x0  }
0x14: {  	s2 =	sld [smem:$0x3F97];
	s0 =	simm.s32 @p1 $0x1  }
0x15: {  	[smem:$0x3FB4] =	sst s0;
	s0 =	simm.s32 @!p2 $0x0  }
0x16: {  	s3 =	sld [smem:$0x3FDB];
	s0 =	simm.s32 @p2 $0x1  }
0x17: {  	s4 =	simm.s32 $0x1BF5;
	[smem:$0x3FB6] =	sst s0  }
0x18: {  	s0 =	sld [smem:$0x3F99];
	_ =	swait.ge [sflag:s4], $0x0  }
0x19: {  	s7 =	sld [smem:$0x3F9A]  }
0x1a: {  	s8 =	sadd.s32 $0xFFFFE003, lr  }
0x1b: {  	s9 =	sadd.s32 $0xFFFFFEF7, lr;
	s5 =	simm.s32 $0xFFFFFFFF;
	p2 =	slt.u32 s8, $0xFFFFF086  }
0x1c: {  	p1 =	slt.u32 s9, $0xF7A;
	s5 =	simm.s32 @!p2 $0x0  }
0x1d: {  	s5 =	simm.s32 @p1 $0x1;
	p0 =	seq.s32 s7, s2  }
0x1e: {  	s7 =	smul.u32 @!p0 $0xF7A, s2;
	p2 =	seq.s32 @!p0 s5, $0x0  }
0x1f: {  	s9 =	smul.u32 $0xF7A, s1;
	s8 =	simm.s32 @!p0 $0x1BF5;
	p2 =	por !p2, p0  }
0x20: {  	[sflag:s8] =	ssyncset.s32 @!p0 $0xFFFFF086;
	s6 =	sadd.s32 @!p0 s3, s7;
	s7 =	simm.s32 @!p0 $0x108  }
0x21: {  	s3 =	sadd.s32 s3, s9;
	s6 =	sadd.s32 @!p0 $0x88, s6;
	s7 =	simm.s32 @p2 $0x1082  }
0x22: {  	[simem:s7], [sflag:s8] =	dma.local @!p0 [hbm:s6], $0xF7A  }
0x23: {  	s9 =	sor.u32 $0xD0000000, s2;
	s6 =	simm.s32 $0x108;
	_ =	swait.ge @!p0 [sflag:s8], $0x0  }
0x24: {  	s3 =	sadd.s32 $0x88, s3;
	s6 =	simm.s32 @!p1 $0x1082;
	[sflag:s4] =	ssyncset.s32 $0xFFFFF086  }
0x25: {  	[simem:s6], [sflag:s4] =	dma.local [hbm:s3], $0xF7A  }
0x26: {  	[smem:$0x3F9A] =	sst s1;
	(tag) =	ssettag s2;
	_ =	strace s9  }
0x27: {  	s1 =	sld [smem:$0x3FAA]  }
0x28: {  	s2 =	sld [smem:$0x3FAB]  }
0x29: {  	s4 =	sld [smem:$0x3FAD]  }
0x2a: {  	p0 =	seq.s32 s5, $0x0;
	s5 =	sld [smem:$0x3FAE]  }
0x2b: {  	s6 =	sld [smem:$0x3FAF]  }
0x2c: {  	s7 =	sld [smem:$0x3FB0]  }
0x2d: {  	s3 =	simm.s32 $0x108;
	s8 =	sld [smem:$0x3FB1]  }
0x2e: {  	s3 =	simm.s32 @!p0 $0x1082;
	s9 =	sld [smem:$0x3FB2]  }
0x2f: {  	lr =	sadd.s32 s0, s3;
	s0 =	sld [smem:$0x3FA9]  }
0x30: {  	s3 =	sld [smem:$0x3FAC]  }
0x31: {  	[smem:$0x3FB5] =	sst s10  }
0x32: {  	s10 =	sld [smem:$0x3FB3];
	_ =	sdelay $0x3  }
0x33: {  	p0 =	seq.s32 s10, $0x1;
	s10 =	sld [smem:$0x3FB5];
	_ =	sdelay $0x3  }
0x34: {  	[smem:$0x3FB5] =	sst s10  }
0x35: {  	s10 =	sld [smem:$0x3FB4];
	_ =	sdelay $0x3  }
0x36: {  	p1 =	seq.s32 s10, $0x1;
	s10 =	sld [smem:$0x3FB5];
	_ =	sdelay $0x3  }
0x37: {  	[smem:$0x3FB5] =	sst s10  }
0x38: {  	s10 =	sld [smem:$0x3FB6]  }
0x39: {  	_ = 	snop;
	(pc) =	sbr.ind lr, $3  }
0x3a: {  	_ = 	snop  }
0x3b: {  	_ = 	snop  }
0x3c: {  	p2 =	seq.s32 s10, $0x1;
	s10 =	sld [smem:$0x3FB5]  }
0x3d: {  	_ =	shalt  }
0x3e: {  	_ =	shalt  }
0x3f: {  	_ =	shalt  }
0x40: {  	_ =	shalt  }
0x41: {  	_ =	shalt  }
0x42: {  	_ =	shalt  }
0x43: {  	_ =	shalt  }
0x44: {  	_ =	shalt  }
0x45: {  	_ =	shalt  }
0x46: {  	_ =	shalt  }
0x47: {  	_ =	shalt  }
0x48: {  	_ =	shalt  }
0x49: {  	_ =	shalt  }
0x4a: {  	_ =	shalt  }
0x4b: {  	_ =	shalt  }
0x4c: {  	_ =	shalt  }
0x4d: {  	_ =	shalt  }
0x4e: {  	_ =	shalt  }
0x4f: {  	_ =	shalt  }
0x50: {  	_ =	shalt  }
0x51: {  	_ =	shalt  }
0x52: {  	_ =	shalt  }
0x53: {  	_ =	shalt  }
0x54: {  	_ =	shalt  }
0x55: {  	_ =	shalt  }
0x56: {  	_ =	shalt  }
0x57: {  	_ =	shalt  }
0x58: {  	_ =	shalt  }
0x59: {  	_ =	shalt  }
0x5a: {  	_ =	shalt  }
0x5b: {  	_ =	shalt  }
0x5c: {  	_ =	shalt  }
0x5d: {  	_ =	shalt  }
0x5e: {  	_ =	shalt  }
0x5f: {  	_ =	shalt  }
0x60: {  	_ =	shalt  }
0x61: {  	_ =	shalt  }
0x62: {  	_ =	shalt  }
0x63: {  	_ =	shalt  }
0x64: {  	_ =	shalt  }
0x65: {  	_ =	shalt  }
0x66: {  	_ =	shalt  }
0x67: {  	_ =	shalt  }
0x68: {  	_ =	shalt  }
0x69: {  	_ =	shalt  }
0x6a: {  	_ =	shalt  }
0x6b: {  	_ =	shalt  }
0x6c: {  	_ =	shalt  }
0x6d: {  	_ =	shalt  }
0x6e: {  	_ =	shalt  }
0x6f: {  	_ =	shalt  }
0x70: {  	_ =	shalt  }
0x71: {  	_ =	shalt  }
0x72: {  	_ =	shalt  }
0x73: {  	_ =	shalt  }
0x74: {  	_ =	shalt  }
0x75: {  	_ =	shalt  }
0x76: {  	_ =	shalt  }
0x77: {  	_ =	shalt  }
0x78: {  	_ =	shalt  }
0x79: {  	_ =	shalt  }
0x7a: {  	_ =	shalt  }
0x7b: {  	_ =	shalt  }
0x7c: {  	_ =	shalt  }
0x7d: {  	_ =	shalt  }
0x7e: {  	_ =	shalt  }
0x7f: {  	_ =	shalt  }
0x80: {  	_ =	shalt  }
0x81: {  	_ =	shalt  }
0x82: {  	_ =	shalt  }
0x83: {  	_ =	shalt  }
0x84: {  	_ =	shalt  }
0x85: {  	_ =	shalt  }
0x86: {  	_ =	shalt  }
0x87: {  	_ =	shalt  }
.Lfunc_end0:
.L_simem_size_0:
called_computation_lowered:
.L_overlay_start_0:
0x88: {  	s2 =	sld [smem:$0x3FD9]  }
0x89: {  	s3 =	sld [smem:$0x3FFE];
	_ =	sdelay $0x1  }
0x8a: {  	s1 =	srdreg.scid  }
0x8b: {  	s0 =	sand.u32 $0x1, s1  }
0x8c: {  	s17 =	sshll.u32 s0, $0xA;
	s2 =	sadd.s32 s3, s2  }
0x8d: {  	s2 =	sadd.s32 s2, s17  }
0x8e: {  	[smem:$0x3FC1] =	sst s2  }
0x8f: {  	_ = 	snop  }
0x90: {  	s2 =	sld [smem:$0x3FD0];
	(tm) =	ssettm $0x1  }
0x91: {  	s18 =	sld [smem:$0x3FFB];
	_ =	sdelay $0x3  }
0x92: {  	_ =	strace s18  }
0x93: {  	s3 =	sld [smem:$0x3FFC];
	_ =	sdelay $0x3  }
0x94: {  	_ =	strace s3  }
0x95: {  	s3 =	sld [smem:$0x3FFD];
	_ =	sdelay $0x3  }
0x96: {  	_ =	strace s3  }
0x97: {  	_ =	strace $0x8FFFFFFF  }
0x98: {  	s19 =	sld [smem:$0x3FDB];
	_ =	sdelay $0x1  }
0x99: {  	s4 =	simm.s32 $_scs_section_size  }
0x9a: {  	s5 =	simm.s32 $_size__tile_overlayer_lowered;
	s6 =	simm.s32 $_tile_overlayer_lowered  }
0x9b: {  	s22 =	simm.s32 $0x1BFF;
	s21 =	sshll.u32 s6, $0x1;
	s3 =	sadd.s32 s4, s19  }
0x9c: {  	s7 =	simm.s32 $0x0;
	s20 =	sshll.u32 s5, $0x1;
	s5 =	sadd.s32 s21, s3  }
0x9d: {  	[timem:s7], [sflag:s22] =	dma.local [hbm:s5], s20  }
0x9e: {  	_ =	swait.ge [sflag:s22], s20  }
0x9f: {  	s4 =	ssub.s32 $0x0, s20;
	[sflag:s22] =	ssyncset.done $0x0  }
0xa0: {  	[sflag:s22] =	ssyncadd.s32 s4;
	_ =	sdelay $0x1  }
0xa1: {  	s23 =	simm.s32 $0x1B8B  }
0xa2: {  	_ =	swait.ge [sflag:s23], $0x1  }
0xa3: {  	[sflag:s23] =	ssyncset.done $0x0  }
0xa4: {  	s25 =	simm.s32 $0x1B8E;
	s24 =	sld [smem:$0x3FFE];
	[sflag:s23] =	ssyncadd.s32 $0xFFFFFFFF  }
0xa5: {  	s26 =	simm.s32 $execute0_lowered;
	[smem:$0x3FD2] =	sst s25  }
0xa6: {  	s5 =	sshll.u32 s26, $0x1;
	_ =	strace $0x80000046;
	[dreg:$0x1] =	wrdreg $0xFFFFFFFF  }
0xa7: {  	s28 =	simm.s32 $_size_execute0_lowered;
	s3 =	sadd.s32 s3, s5;
	[dreg:$0x0] =	wrdreg $0x0  }
0xa8: {  	s5 =	sshll.u32 s28, $0x1;
	[dreg:$0x2] =	wrdreg s3  }
0xa9: {  	[dreg:$0x3] =	wrdreg s5  }
0xaa: {  	[dreg:$0x4] =	wrdreg $0xC0  }
0xab: {  	_ =	task [dreg:s7], $0x5FFFF  }
0xac: {  	[dreg:$0x1] =	wrdreg $0xFFFFFFFF  }
0xad: {  	[dreg:$0x0] =	wrdreg $0x60  }
0xae: {  	[dreg:$0x2] =	wrdreg s24  }
0xaf: {  	[dreg:$0x3] =	wrdreg s2  }
0xb0: {  	[dreg:$0x4] =	wrdreg $0x84100  }
0xb1: {  	[dreg:$0x5] =	wrdreg $0x9  }
0xb2: {  	_ =	task.clear_ibuf [dreg:s7], $0x6FFFF;
	_ =	strace $0x90000046  }
0xb3: {  	s29 =	simm.s32 $0x9;
	_ =	strace $0x80000048  }
0xb4: {  	_ =	swait.ge [sflag:s29], $0x1  }
0xb5: {  	[sflag:s29] =	ssyncadd.s32 $0xFFFFFFFF  }
0xb6: {  	_ =	strace $0x90000048  }
0xb7: {  	_ =	sfence  }
0xb8: {  	s30 =	sld [smem:$0x0];
	_ =	sdelay $0x2  }
0xb9: {  	s31 =	sshll.u32 s1, $0xD;
	s1 =	sshrl.u32 s1, $0x2  }
0xba: {  	s3 =	sand.u32 $0x4000, s31;
	s1 =	sadd.s32 s1, s30  }
0xbb: {  	s0 =	sor.u32 s3, s0;
	s1 =	sshll.u32 s1, $0x11  }
0xbc: {  	s0 =	sor.u32 s1, s0  }
0xbd: {  	s0 =	sadd.s32 $0x8F2B, s0  }
0xbe: {  	[sflag:s0] =	ssyncadd.remote.s32 $0x1  }
0xbf: {  	_ =	sfence.sel $0xFFFF  }
0xc0: {  	[dreg:$0x0] =	wrdreg $0xFFFFFFFF;
	(pc) =	sbr.abs _section_cstart, $3  }
0xc1: {  	[dreg:$0x1] =	wrdreg $0xFFFFFFFF  }
0xc2: {  	_ =	task.clear_ibuf [dreg:s7], $0x2FFFF;
	_ =	strace $0x9FFFFFFF  }
0xc3: {  	(tm) =	ssettm $0x7FFFFFFF  }
tec
execute0_lowered:
.L_overlay_start_1:
0x0: {  	(tag) =	ssettag $0x1  }
0x1: {  	s0 =	rddreg [dreg:$0x0]  }
0x2: {  	s1 =	rddreg [dreg:$0x1]  }
0x3: {  	s2 =	rddreg [dreg:$0x2];
	s4 =	simm.s32 $0x0;
	s3 =	srdreg.scid  }
0x4: {  	s11 =	stileid.u32;
	s28 =	simm.s32 $0x2920;
	s29 =	simm.s32 $0x2740  }
0x5: {  	s30 =	simm.s32 $0x50;
	s31 =	simm.s32 $0x2830;
	[smem:$0x7FF] =	sst s4  }
0x6: {  	s3 =	sand.u32 $0x1, s3;
	s7 =	smul.u32 $0x16800, s11;
	s9 =	sadd.s32 $0x2D400, s0  }
0x7: {  	s13 =	sadd.s32 $0x1200, s0;
	_ =	strace $0x80000047;
	[dreg:$0x4] =	wrdreg s9  }
0x8: {  	s5 =	sadd.s32 $0x1400, s0;
	s10 =	sadd.s32 $0x1000, s0;
	[dreg:$0x5] =	wrdreg s13  }
0x9: {  	s6 =	smul.u32 $0x168000, s3;
	s8 =	sshll.u32 s3, $0x4;
	[dreg:$0x6] =	wrdreg s10  }
0xa: {  	s3 =	ssub.s32 $0x2, s3;
	s9 =	simm.s32 $0x2;
	s12 =	sor.u32 s11, s8  }
0xb: {  	s16 =	sshrl.u32 s3, $0x1;
	s6 =	sadd.s32 s7, s6;
	s14 =	smul.u32 $0x7530, s12  }
0xc: {  	s15 =	smul.u32 $0xEA6, s12;
	s3 =	ssub.s32 s3, s16;
	s6 =	sshrl.u32 s6, $0x3  }
0xd: {  	s11 =	smul.u32 $0x5A000, s11;
	s3 =	smax.u32 s3, $0x1;
	s0 =	sadd.s32 s6, s0  }
0xe: {  	s10 =	sshrl.u32 s14, $0x3;
	s6 =	sadd.s32 s1, s15;
	[dreg:$0xb] =	wrdreg s3  }
0xf: {  	[dreg:$0x7] =	wrdreg s6;
	s17 =	sadd.s32 s1, s10;
	s0 =	sadd.s32 $0x2DA00, s0  }
0x10: {  	s19 =	sadd.s32 s7, s2;
	s6 =	sadd.s32 $0x1E, s17;
	[dreg:$0x9] =	wrdreg s0  }
0x11: {  	s18 =	sshrl.u32 s11, $0x2;
	s0 =	sshrl.u32 s19, $0x3;
	[dreg:$0x8] =	wrdreg s6  }
0x12: {  	s13 =	simm.s32 $0x83C0;
	s6 =	sadd.s32 s18, s2;
	[dreg:$0x13] =	wrdreg s0  }
0x13: {  	s8 =	smul.u32 $0x7D, s12;
	s20 =	sadd.s32 $0x2D00, s6;
	[dreg:$0xa] =	wrdreg s6  }
0x14: {  	s7 =	simm.s32 $0x8370;
	s21 =	sadd.s32 $0x5A00, s6;
	[dreg:$0xc] =	wrdreg s20  }
0x15: {  	s16 =	simm.s32 $0x0;
	s22 =	sadd.s32 $0x8700, s6;
	[dreg:$0xd] =	wrdreg s21  }
0x16: {  	s11 =	simm.s32 $0x5;
	s23 =	sadd.s32 $0xB400, s6;
	[dreg:$0xe] =	wrdreg s22  }
0x17: {  	v0 =	vlaneseq.u32;
	s12 =	sadd.s32 $0x1, s8;
	s24 =	sadd.s32 $0xE100, s6;
	[dreg:$0xf] =	wrdreg s23  }
0x18: {  	v5 =	vmul.u32 $0x90, v0;
	s3 =	simm.s32 $0x5620;
	s25 =	sadd.s32 $0x10E00, s6;
	[dreg:$0x10] =	wrdreg s24  }
0x19: {  	s10 =	simm.s32 $0x3;
	s26 =	sadd.s32 $0x13B00, s6;
	[dreg:$0x11] =	wrdreg s25  }
0x1a: {  	v0 =	vimm.f32 $0.0e+00;
	v1 =	vadd.s32 $0x8F, v5;
	v2 =	vadd.s32 $0x98F, v5;
	s0 =	simm.s32 $0x1;
	s6 =	simm.s32 $0x8320;
	[dreg:$0x12] =	wrdreg s26  }
0x1b: {  	v3 =	vadd.s32 $0x128F, v5;
	v4 =	vadd.s32 $0x1B8F, v5;
	v5 =	vadd.s32 $0x248F, v5;
	s23 =	simm.s32 $0x7;
	s26 =	simm.s32 $0x30;
	s24 =	simm.s32 $0x4  }
.LBB2_1:
0x1c: {  	s14 =	rddreg [dreg:$0x5]  }
0x1d: {  	[tilespmem:s4], [sflag:$0x7] =	stream.linear.gather [hbm4b:s14+s4], $0x20, $0x38;
	[tilespmem:$0x1EC10] =	vst v63  }
0x1e: {  	_ =	swait.ge [sflag:s23], $0x20  }
0x1f: {  	[sflag:s23] =	ssyncset.done $0x0  }
0x20: {  	s15 =	simm.s32 $0x20;
	s22 =	rddreg [dreg:$0x6];
	[sflag:s23] =	ssyncadd.s32 $0xFFFFFFE0  }
0x21: {  	[tilespmem:s15], [sflag:$0x7] =	stream.linear.gather [hbm4b:s22+s4], $0x10, $0x38;
	[tilespmem:$0x1EC10] =	vst v63  }
0x22: {  	_ =	swait.ge [sflag:s23], $0x10  }
0x23: {  	[sflag:s23] =	ssyncset.done $0x0  }
0x24: {  	s25 =	rddreg [dreg:$0x4];
	[sflag:s23] =	ssyncadd.s32 $0xFFFFFFF0  }
0x25: {  	[tilespmem:s26], [sflag:$0x7] =	stream.linear.gather [hbm4b:s25+s4], $0x2710, $0x38;
	[tilespmem:$0x1EC10] =	vst v63  }
0x26: {  	_ =	swait.ge [sflag:s23], $0x2710  }
0x27: {  	[sflag:s23] =	ssyncset.done $0x0  }
0x28: {  	s17 =	simm.s32 $0x0;
	s18 =	simm.s32 $0x240;
	[sflag:s23] =	ssyncadd.s32 $0xFFFFD8F0  }
.LBB2_2:
0x29: {  	p0 =	sne.s32 s18, $0xB1C0;
	[tilespmem:s17+$0x29A0] =	vst v0  }
0x2a: {  	[tilespmem:s17+$0x2920] =	vst v0  }
0x2b: {  	[tilespmem:s17+$0x2930] =	vst v0  }
0x2c: {  	[tilespmem:s17+$0x2940] =	vst v0  }
.Ltmp0:
0x2d: {  	[tilespmem:s17+$0x2950] =	vst v0;
	(pc) =	sbr.rel @p0 .LBB2_2-.Ltmp0, $4  }
0x2e: {  	[tilespmem:s17+$0x2960] =	vst v0  }
0x2f: {  	[tilespmem:s17+$0x2970] =	vst v0  }
0x30: {  	[tilespmem:s17+$0x2980] =	vst v0  }
0x31: {  	[tilespmem:s17+$0x2990] =	vst v0;
	s17 =	sshra.s32 s18, $0x2;
	s18 =	sadd.s32 $0x240, s18  }
0x32: {  	[tilespmem:s17+$0x29A0] =	vst v0  }
0x33: {  	[tilespmem:s17+$0x2920] =	vst v0  }
0x34: {  	[tilespmem:s17+$0x2930] =	vst v0  }
0x35: {  	[tilespmem:s17+$0x2940] =	vst v0  }
0x36: {  	[tilespmem:s17+$0x2950] =	vst v0  }
0x37: {  	[tilespmem:s17+$0x2960] =	vst v0  }
0x38: {  	[tilespmem:s17+$0x2970] =	vst v0  }
0x39: {  	[tilespmem:s17+$0x2980] =	vst v0  }
0x3a: {  	[tilespmem:s17+$0x2990] =	vst v0;
	s14 =	rddreg [dreg:$0xa]  }
0x3b: {  	[spmem:s14] =	stream.linear.scatter [tilespmem:s28], [sflag:$0x7], $0x2D00, $0x38;
	[tilespmem:$0x1EC10] =	vst v63  }
0x3c: {  	_ =	swait.ge [sflag:s23], $0x2D00  }
0x3d: {  	[sflag:s23] =	ssyncset.done $0x0  }
0x3e: {  	s25 =	rddreg [dreg:$0xc];
	[sflag:s23] =	ssyncadd.s32 $0xFFFFD300  }
0x3f: {  	[spmem:s25] =	stream.linear.scatter [tilespmem:s28], [sflag:$0x7], $0x2D00, $0x38;
	[tilespmem:$0x1EC10] =	vst v63  }
0x40: {  	_ =	swait.ge [sflag:s23], $0x2D00  }
0x41: {  	[sflag:s23] =	ssyncset.done $0x0  }
0x42: {  	s15 =	rddreg [dreg:$0xd];
	[sflag:s23] =	ssyncadd.s32 $0xFFFFD300  }
0x43: {  	[spmem:s15] =	stream.linear.scatter [tilespmem:s28], [sflag:$0x7], $0x2D00, $0x38;
	[tilespmem:$0x1EC10] =	vst v63  }
0x44: {  	_ =	swait.ge [sflag:s23], $0x2D00  }
0x45: {  	[sflag:s23] =	ssyncset.done $0x0  }
0x46: {  	s17 =	rddreg [dreg:$0xe];
	[sflag:s23] =	ssyncadd.s32 $0xFFFFD300  }
0x47: {  	[spmem:s17] =	stream.linear.scatter [tilespmem:s28], [sflag:$0x7], $0x2D00, $0x38;
	[tilespmem:$0x1EC10] =	vst v63  }
0x48: {  	_ =	swait.ge [sflag:s23], $0x2D00  }
0x49: {  	[sflag:s23] =	ssyncset.done $0x0  }
0x4a: {  	s18 =	rddreg [dreg:$0xf];
	[sflag:s23] =	ssyncadd.s32 $0xFFFFD300  }
0x4b: {  	[spmem:s18] =	stream.linear.scatter [tilespmem:s28], [sflag:$0x7], $0x2D00, $0x38;
	[tilespmem:$0x1EC10] =	vst v63  }
0x4c: {  	_ =	swait.ge [sflag:s23], $0x2D00  }
0x4d: {  	[sflag:s23] =	ssyncset.done $0x0  }
0x4e: {  	s19 =	rddreg [dreg:$0x10];
	[sflag:s23] =	ssyncadd.s32 $0xFFFFD300  }
0x4f: {  	[spmem:s19] =	stream.linear.scatter [tilespmem:s28], [sflag:$0x7], $0x2D00, $0x38;
	[tilespmem:$0x1EC10] =	vst v63  }
0x50: {  	_ =	swait.ge [sflag:s23], $0x2D00  }
0x51: {  	[sflag:s23] =	ssyncset.done $0x0  }
0x52: {  	s20 =	rddreg [dreg:$0x11];
	[sflag:s23] =	ssyncadd.s32 $0xFFFFD300  }
0x53: {  	[spmem:s20] =	stream.linear.scatter [tilespmem:s28], [sflag:$0x7], $0x2D00, $0x38;
	[tilespmem:$0x1EC10] =	vst v63  }
0x54: {  	_ =	swait.ge [sflag:s23], $0x2D00  }
0x55: {  	[sflag:s23] =	ssyncset.done $0x0  }
0x56: {  	s21 =	rddreg [dreg:$0x12];
	[sflag:s23] =	ssyncadd.s32 $0xFFFFD300  }
0x57: {  	[spmem:s21] =	stream.linear.scatter [tilespmem:s28], [sflag:$0x7], $0x2D00, $0x38;
	[tilespmem:$0x1EC10] =	vst v63  }
0x58: {  	_ =	swait.ge [sflag:s23], $0x2D00  }
0x59: {  	[sflag:s23] =	ssyncset.done $0x0  }
0x5a: {  	[sflag:s23] =	ssyncadd.s32 $0xFFFFD300  }
0x5b: {  	v6 =	vld [tilespmem:$0x20];
	[bflag:$0x0] =	sbarrier.arrive $0xFFFF  }
0x5c: {  	s17 =	simm.s32 $0x0;
	s22 =	rddreg [dreg:$0x7]  }
0x5d: {  	[tilespmem:s29], [sflag:$0x7] =	stream.linear.gather [hbm4b:s22+s17], $0xF0, $0x38;
	[tilespmem:$0x1EC10] =	vst v63  }
0x5e: {  	_ =	swait.ge [sflag:s23], $0xF0  }
0x5f: {  	[sflag:s23] =	ssyncset.done $0x0  }
0x60: {  	[sflag:s23] =	ssyncadd.s32 $0xFFFFFF10  }
0x61: {  	[tilespmem:s28], [sflag:$0x1] =	stream.indirect.gather [hbm4b:s5+s30], $0x90, s29, s30, $0xb8;
	[tilespmem:$0x1EC10] =	vst v63  }
0x62: {  	s18 =	simm.s32 $0x0;
	s25 =	rddreg [dreg:$0x8]  }
0x63: {  	[tilespmem:s31], [sflag:$0x4] =	stream.linear.gather [hbm4b:s25+s17], $0xF0, $0x38;
	[tilespmem:$0x1EC10] =	vst v63  }
.LBB2_4:
0x64: {  	_ =	swait.ge [sflag:s0], $0x2D00  }
0x65: {  	[sflag:s0] =	ssyncset.done $0x0  }
0x66: {  	[sflag:s0] =	ssyncadd.s32 $0xFFFFD300  }
0x67: {  	_ =	swait.ge [sflag:s24], $0xF0  }
0x68: {  	p0 =	seq.s32 s18, $0x0;
	[sflag:s24] =	ssyncset.done $0x0  }
0x69: {  	s14 =	simm.s32 @!p0 $0x6;
	[sflag:s24] =	ssyncadd.s32 $0xFFFFFF10  }
0x6a: {  	_ =	swait.ge @!p0 [sflag:s14], $0x2D00  }
0x6b: {  	[sflag:s14] =	ssyncset.done @!p0 $0x0  }
0x6c: {  	[sflag:s14] =	ssyncadd.s32 @!p0 $0xFFFFD300  }
0x6d: {  	[tilespmem:s3], [sflag:$0x2] =	stream.indirect.gather [hbm4b:s5+s30], $0x90, s31, s30, $0xb8;
	[tilespmem:$0x1EC10] =	vst v63  }
0x6e: {  	v7 =	vld [tilespmem:$0x2790]  }
0x6f: {  	v8 =	vld [tilespmem:$0x27E0]  }
0x70: {  	v9 =	vld [tilespmem:$0x27A0]  }
0x71: {  	v10 =	vld [tilespmem:$0x27F0]  }
0x72: {  	v11 =	vld.idx.msk [tilespmem:v1+s28+$0x0], $0xffff  }
0x73: {  	v12 =	vld.idx.msk [tilespmem:v2+s28+$0x0], $0xffff  }
0x74: {  	v13 =	vld [tilespmem:$0x27B0]  }
0x75: {  	v14 =	vld [tilespmem:$0x2800]  }
0x76: {  	v15 =	vld [tilespmem:$0x27C0]  }
0x77: {  	v16 =	vld.idx.msk [tilespmem:v3+s28+$0x0], $0xffff  }
0x78: {  	v17 =	vld [tilespmem:$0x27D0]  }
0x79: {  	v18 =	vld [tilespmem:$0x2810]  }
0x7a: {  	v19 =	vld [tilespmem:$0x2820]  }
0x7b: {  	v20 =	vld.idx.msk [tilespmem:v4+s28+$0x0], $0xffff  }
0x7c: {  	v21 =	vld.idx.msk [tilespmem:v5+s28+$0x0], $0xffff  }
0x7d: {  	v7 =	vld.idx.msk [tilespmem:v7+s26+$0x0], $0xffff  }
0x7e: {  	v8 =	vld.idx.msk [tilespmem:v8+s17+$0x0], $0xffff  }
0x7f: {  	v9 =	vld.idx.msk [tilespmem:v9+s26+$0x0], $0xffff  }
0x80: {  	v10 =	vld.idx.msk [tilespmem:v10+s17+$0x0], $0xffff  }
0x81: {  	v13 =	vld.idx.msk [tilespmem:v13+s26+$0x0], $0xffff  }
0x82: {  	v14 =	vld.idx.msk [tilespmem:v14+s17+$0x0], $0xffff  }
0x83: {  	v15 =	vld.idx.msk [tilespmem:v15+s26+$0x0], $0xffff  }
0x84: {  	v17 =	vld.idx.msk [tilespmem:v17+s26+$0x0], $0xffff  }
0x85: {  	v7 =	vadd.f32 v7, v11;
	v11 =	vld.idx.msk [tilespmem:v18+s17+$0x0], $0xffff  }
0x86: {  	v9 =	vadd.f32 v9, v12;
	v12 =	vld.idx.msk [tilespmem:v19+s17+$0x0], $0xffff  }
0x87: {  	v7 =	vadd.f32 v8, v7;
	v8 =	vadd.f32 v13, v16  }
0x88: {  	v9 =	vadd.f32 v10, v9;
	v10 =	vadd.f32 v15, v20  }
0x89: {  	v13 =	vmul.f32 $2.000000030e-01, v7;
	v8 =	vadd.f32 v14, v8;
	v14 =	vadd.f32 v17, v21  }
0x8a: {  	v15 =	vmul.f32 $2.000000030e-01, v9;
	v10 =	vadd.f32 v11, v10  }
0x8b: {  	v7 =	vmax.f32 v7, v13;
	v11 =	vmul.f32 $2.000000030e-01, v8;
	v12 =	vadd.f32 v12, v14  }
0x8c: {  	v9 =	vmax.f32 v9, v15;
	v7 =	vsub.f32 v7, v6;
	v13 =	vmul.f32 $2.000000030e-01, v10  }
0x8d: {  	v9 =	vsub.f32 v9, v6;
	v8 =	vmax.f32 v8, v11;
	v11 =	vmul.f32 $2.000000030e-01, v12  }
0x8e: {  	v7 =	vmul.f32 $1.442695020e+00, v7;
	v8 =	vsub.f32 v8, v6;
	v10 =	vmax.f32 v10, v13  }
0x8f: {  	v9 =	vmul.f32 $1.442695020e+00, v9;
	v10 =	vsub.f32 v10, v6;
	v11 =	vmax.f32 v12, v11  }
0x90: {  	(erf) = vpow2.f32 v7;
	v7 =	vmul.f32 $1.442695020e+00, v8;
	v8 =	vsub.f32 v11, v6  }
0x91: {  	(erf) = vpow2.f32 v9;
	v9 =	vmul.f32 $1.442695020e+00, v10  }
0x92: {  	(erf) = vpow2.f32 v7;
	v7 =	vmul.f32 $1.442695020e+00, v8  }
0x93: {  	(erf) = vpow2.f32 v9  }
0x94: {  	(erf) = vpow2.f32 v7;
	_ =	sdelay $0x2  }
0x95: {  	s15 =	simm.s32 $0x2;
	v7 =	vmov s17  }
0x96: {  	v8 =	vmov s15;
	v7 =	vand.u32 $0xFFFFFFFC, v7  }
0x97: {  	v8 =	vand.u32 $0xFFFFFFFE, v8;
	v7 =	vbroadcast v7, $0x0;
	v9 =	vpop (erf)  }
0x98: {  	v8 =	vbroadcast v8, $0x0;
	v10 =	vpop (erf);
	[tilespmem:$0x8320] =	vst v9  }
0x99: {  	v9 =	vpop (erf);
	[tilespmem:$0x8330] =	vst v10  }
0x9a: {  	v10 =	vpop (erf);
	[tilespmem:$0x8340] =	vst v9  }
0x9b: {  	[tilespmem:$0x8350] =	vst v10;
	v9 =	vpop (erf)  }
0x9c: {  	[tilespmem:$0x8360] =	vst v9  }
0x9d: {  	v9 =	vld.idx.msk [tilespmem:v7+s6+$0x0], $0xffff  }
0x9e: {  	s21 =	simm.s32 $0x2A40;
	s19 =	simm.s32 $0x1;
	v7 =	vld.idx.msk [tilespmem:v8+s6+$0x0], $0xffff  }
0x9f: {  	v11 =	vmov s19;
	v8 =	vld [tilespmem:s21+$0x80]  }
0xa0: {  	v11 =	vand.u32 $0xFFFFFFFD, v11;
	v10 =	vld [tilespmem:s21+$0xFFFFFEE0]  }
0xa1: {  	v11 =	vbroadcast v11, $0x0;
	v12 =	vld [tilespmem:s21+$0xFFFFFEF0]  }
0xa2: {  	v13 =	vld [tilespmem:s21+$0xFFFFFF00]  }
0xa3: {  	v14 =	vld [tilespmem:s21+$0xFFFFFF10]  }
0xa4: {  	v15 =	vld [tilespmem:s21+$0xFFFFFF20]  }
0xa5: {  	v17 =	vld [tilespmem:s21+$0xFFFFFF40]  }
0xa6: {  	v16 =	vld [tilespmem:s21+$0xFFFFFF30];
	v10 =	vmul.f32 v10, v9  }
0xa7: {  	v11 =	vld.idx.msk [tilespmem:v11+s6+$0x0], $0xffff;
	v12 =	vmul.f32 v12, v9  }
0xa8: {  	v18 =	vld [tilespmem:s21+$0xFFFFFF70];
	v8 =	vmul.f32 v8, v7;
	[tilespmem:s21+$0xFFFFFEE0] =	vst v10  }
0xa9: {  	v19 =	vld [tilespmem:s21+$0xFFFFFF80];
	v13 =	vmul.f32 v13, v9;
	[tilespmem:s21+$0xFFFFFEF0] =	vst v12  }
0xaa: {  	v17 =	vmul.f32 v17, v9;
	v10 =	vld [tilespmem:s21+$0xFFFFFF50];
	[tilespmem:s21+$0x80] =	vst v8  }
0xab: {  	v12 =	vld [tilespmem:s21+$0xFFFFFF60];
	[tilespmem:s21+$0xFFFFFF00] =	vst v13;
	v13 =	vmul.f32 v15, v9  }
0xac: {  	v8 =	vmul.f32 v14, v9;
	v14 =	vld [tilespmem:s21+$0xFFFFFF90];
	[tilespmem:s21+$0xFFFFFF40] =	vst v17  }
0xad: {  	v15 =	vld [tilespmem:s21+$0xFFFFFFA0];
	[tilespmem:s21+$0xFFFFFF20] =	vst v13;
	v13 =	vmul.f32 v18, v11  }
0xae: {  	v17 =	vld [tilespmem:s21+$0xFFFFFFE0];
	[tilespmem:s21+$0xFFFFFF10] =	vst v8;
	v8 =	vmul.f32 v16, v9  }
0xaf: {  	v16 =	vld [tilespmem:s21+$0xFFFFFFB0];
	[tilespmem:s21+$0xFFFFFF70] =	vst v13;
	v13 =	vmul.f32 v19, v11  }
0xb0: {  	v18 =	vld [tilespmem:s21+$0xFFFFFFC0];
	[tilespmem:s21+$0xFFFFFF30] =	vst v8;
	v10 =	vmul.f32 v10, v9  }
0xb1: {  	v8 =	vld [tilespmem:s21+$0xFFFFFFD0];
	v9 =	vmul.f32 v12, v9;
	[tilespmem:s21+$0xFFFFFF80] =	vst v13  }
0xb2: {  	v19 =	vld [tilespmem:s21+$0x60];
	[tilespmem:s21+$0xFFFFFF50] =	vst v10;
	v10 =	vmul.f32 v14, v11  }
0xb3: {  	v13 =	vld [tilespmem:s21+$0x0];
	[tilespmem:s21+$0xFFFFFF60] =	vst v9;
	v9 =	vmul.f32 v15, v11  }
0xb4: {  	s20 =	simm.s32 $0x3;
	v12 =	vld [tilespmem:s21+$0xFFFFFFF0];
	[tilespmem:s21+$0xFFFFFF90] =	vst v10;
	v10 =	vmul.f32 v16, v11  }
0xb5: {  	v14 =	vld [tilespmem:s21+$0x10];
	v15 =	vmov s20;
	[tilespmem:s21+$0xFFFFFFA0] =	vst v9;
	v9 =	vmul.f32 v18, v11  }
0xb6: {  	v16 =	vld [tilespmem:s21+$0x20];
	v8 =	vmul.f32 v8, v11;
	[tilespmem:s21+$0xFFFFFFB0] =	vst v10  }
0xb7: {  	v10 =	vld [tilespmem:s21+$0x30];
	[tilespmem:s21+$0xFFFFFFC0] =	vst v9;
	v9 =	vmul.f32 v17, v11  }
0xb8: {  	v17 =	vld [tilespmem:s21+$0x40];
	[tilespmem:s21+$0xFFFFFFD0] =	vst v8;
	v13 =	vmul.f32 v13, v7  }
0xb9: {  	v18 =	vld [tilespmem:s21+$0x50];
	v11 =	vmul.f32 v12, v11;
	[tilespmem:s21+$0xFFFFFFE0] =	vst v9  }
0xba: {  	v8 =	vld.idx.msk [tilespmem:v15+s6+$0x0], $0xffff;
	v12 =	vmul.f32 v14, v7;
	[tilespmem:s21+$0x0] =	vst v13  }
0xbb: {  	[tilespmem:s21+$0xFFFFFFF0] =	vst v11;
	v9 =	vld [tilespmem:s21+$0x70];
	v11 =	vmul.f32 v16, v7  }
0xbc: {  	s22 =	simm.s32 $0x4;
	v13 =	vld [tilespmem:s21+$0x90];
	[tilespmem:s21+$0x10] =	vst v12;
	v12 =	vmul.f32 v10, v7  }
0xbd: {  	s25 =	simm.s32 $0x7;
	v14 =	vld [tilespmem:s21+$0xA0];
	v10 =	vmov s22;
	[tilespmem:s21+$0x20] =	vst v11;
	v15 =	vmul.f32 v17, v7  }
0xbe: {  	s14 =	simm.s32 $0x6;
	s19 =	sshll.u32 s18, $0x1;
	v16 =	vmul.f32 v18, v7;
	s22 =	simm.s32 $0x5;
	v17 =	vmul.f32 v19, v7;
	v11 =	vand.u32 $0xFFFFFFFC, v10;
	[tilespmem:s21+$0x30] =	vst v12;
	v12 =	vld [tilespmem:s21+$0xB0]  }
0xbf: {  	s20 =	sadd.s32 s8, s19;
	v10 =	vmov s25;
	v18 =	vmov s22;
	s25 =	simm.s32 $0x8;
	s22 =	simm.s32 $0x2A40;
	v11 =	vbroadcast v11, $0x0;
	[tilespmem:s21+$0x40] =	vst v15;
	v15 =	vld [tilespmem:s21+$0xC0]  }
.LBB2_5:
0xc0: {  	p0 =	slt.u32 s25, $0x4C;
	v18 =	vand.u32 $0xFFFFFFFD, v18;
	v19 =	vmov s14;
	[tilespmem:s21+$0x50] =	vst v16;
	v7 =	vmul.f32 v9, v7;
	v9 =	vld [tilespmem:s21+$0xD0]  }
0xc1: {  	v16 =	vbroadcast v18, $0x0;
	v18 =	vand.u32 $0xFFFFFFFE, v19;
	[tilespmem:s21+$0x60] =	vst v17;
	v13 =	vmul.f32 v13, v8;
	v17 =	vld [tilespmem:s21+$0xE0]  }
0xc2: {  	v18 =	vbroadcast v18, $0x0;
	[tilespmem:s21+$0x70] =	vst v7;
	v7 =	vmul.f32 v14, v8;
	v14 =	vld [tilespmem:s21+$0xF0]  }
0xc3: {  	[tilespmem:s21+$0x90] =	vst v13;
	v12 =	vmul.f32 v12, v8;
	v13 =	vld [tilespmem:s21+$0x100]  }
0xc4: {  	[tilespmem:s21+$0xA0] =	vst v7;
	v7 =	vmul.f32 v15, v8;
	v15 =	vld [tilespmem:s21+$0x110]  }
0xc5: {  	v10 =	vld.idx.msk [tilespmem:v10+s6+$0x0], $0xffff;
	[tilespmem:s21+$0xB0] =	vst v12;
	v9 =	vmul.f32 v9, v8  }
0xc6: {  	v11 =	vld.idx.msk [tilespmem:v11+s6+$0x0], $0xffff;
	[tilespmem:s21+$0xC0] =	vst v7;
	v12 =	vmul.f32 v17, v8  }
0xc7: {  	v16 =	vld.idx.msk [tilespmem:v16+s6+$0x0], $0xffff;
	[tilespmem:s21+$0xD0] =	vst v9;
	v9 =	vmul.f32 v14, v8  }
0xc8: {  	s21 =	sadd.s32 $0x240, s21;
	v7 =	vld.idx.msk [tilespmem:v18+s6+$0x0], $0xffff;
	[tilespmem:s22+$0xE0] =	vst v12;
	v12 =	vmul.f32 v13, v8  }
0xc9: {  	v13 =	vld [tilespmem:s21+$0x80];
	[tilespmem:s22+$0xF0] =	vst v9;
	v14 =	vmul.f32 v15, v8  }
0xca: {  	v9 =	vld [tilespmem:s21+$0xFFFFFEE0];
	[tilespmem:s22+$0x100] =	vst v12  }
0xcb: {  	v8 =	vmov v10;
	v12 =	vld [tilespmem:s21+$0xFFFFFEF0];
	[tilespmem:s22+$0x110] =	vst v14;
	s22 =	smov.u32 s21  }
0xcc: {  	v10 =	vld [tilespmem:s21+$0xFFFFFF00]  }
0xcd: {  	v14 =	vld [tilespmem:s21+$0xFFFFFF10]  }
0xce: {  	v15 =	vld [tilespmem:s21+$0xFFFFFF20];
	v13 =	vmul.f32 v13, v7  }
0xcf: {  	v9 =	vmul.f32 v9, v11;
	v17 =	vld [tilespmem:s21+$0xFFFFFF30]  }
0xd0: {  	v12 =	vmul.f32 v12, v11;
	v18 =	vld [tilespmem:s21+$0xFFFFFF40];
	[tilespmem:s21+$0x80] =	vst v13  }
0xd1: {  	[tilespmem:s21+$0xFFFFFEE0] =	vst v9;
	v9 =	vmul.f32 v10, v11;
	v10 =	vld [tilespmem:s21+$0xFFFFFF50]  }
0xd2: {  	[tilespmem:s21+$0xFFFFFEF0] =	vst v12;
	v12 =	vmul.f32 v14, v11;
	v13 =	vld [tilespmem:s21+$0xFFFFFF60]  }
0xd3: {  	[tilespmem:s21+$0xFFFFFF00] =	vst v9;
	v9 =	vmul.f32 v15, v11;
	v14 =	vld [tilespmem:s21+$0xFFFFFF70]  }
0xd4: {  	[tilespmem:s21+$0xFFFFFF10] =	vst v12;
	v12 =	vmul.f32 v17, v11;
	v15 =	vld [tilespmem:s21+$0xFFFFFF80]  }
0xd5: {  	[tilespmem:s21+$0xFFFFFF20] =	vst v9;
	v9 =	vmul.f32 v18, v11;
	v17 =	vld [tilespmem:s21+$0xFFFFFF90]  }
0xd6: {  	[tilespmem:s21+$0xFFFFFF30] =	vst v12;
	v10 =	vmul.f32 v10, v11;
	v12 =	vld [tilespmem:s21+$0xFFFFFFA0]  }
0xd7: {  	[tilespmem:s21+$0xFFFFFF40] =	vst v9;
	v9 =	vmul.f32 v13, v11;
	v11 =	vld [tilespmem:s21+$0xFFFFFFB0]  }
0xd8: {  	[tilespmem:s21+$0xFFFFFF50] =	vst v10;
	v10 =	vmul.f32 v14, v16;
	v13 =	vld [tilespmem:s21+$0xFFFFFFC0]  }
0xd9: {  	[tilespmem:s21+$0xFFFFFF60] =	vst v9;
	v9 =	vmul.f32 v15, v16;
	v14 =	vld [tilespmem:s21+$0xFFFFFFD0]  }
0xda: {  	[tilespmem:s21+$0xFFFFFF70] =	vst v10;
	v10 =	vmul.f32 v17, v16;
	v15 =	vld [tilespmem:s21+$0xFFFFFFE0]  }
0xdb: {  	[tilespmem:s21+$0xFFFFFF80] =	vst v9;
	v9 =	vmul.f32 v12, v16;
	v12 =	vld [tilespmem:s21+$0xFFFFFFF0]  }
0xdc: {  	[tilespmem:s21+$0xFFFFFF90] =	vst v10;
	v10 =	vmul.f32 v11, v16;
	v11 =	vld [tilespmem:s21+$0x0]  }
0xdd: {  	[tilespmem:s21+$0xFFFFFFA0] =	vst v9;
	v9 =	vmul.f32 v13, v16;
	v13 =	vld [tilespmem:s21+$0x10]  }
0xde: {  	[tilespmem:s21+$0xFFFFFFB0] =	vst v10;
	v10 =	vmul.f32 v14, v16;
	v14 =	vld [tilespmem:s21+$0x20]  }
0xdf: {  	[tilespmem:s21+$0xFFFFFFC0] =	vst v9;
	v9 =	vmul.f32 v15, v16;
	v15 =	vld [tilespmem:s21+$0x30]  }
0xe0: {  	[tilespmem:s21+$0xFFFFFFD0] =	vst v10;
	v10 =	vmul.f32 v12, v16;
	v12 =	vld [tilespmem:s21+$0x40]  }
0xe1: {  	[tilespmem:s21+$0xFFFFFFE0] =	vst v9;
	v9 =	vmul.f32 v11, v7;
	v11 =	vld [tilespmem:s21+$0x50]  }
0xe2: {  	[tilespmem:s21+$0xFFFFFFF0] =	vst v10;
	v10 =	vmul.f32 v13, v7;
	v17 =	vld [tilespmem:s21+$0x60]  }
.Ltmp1:
0xe3: {  	[tilespmem:s21+$0x0] =	vst v9;
	v14 =	vmul.f32 v14, v7;
	v9 =	vld [tilespmem:s21+$0x70];
	(pc) =	sbr.rel @p0 .LBB2_5-.Ltmp1, $4  }
0xe4: {  	[tilespmem:s21+$0x10] =	vst v10;
	v15 =	vmul.f32 v15, v7;
	v13 =	vld [tilespmem:s21+$0x90]  }
0xe5: {  	s14 =	sadd.s32 $0x3, s25;
	v10 =	vmov s25;
	[tilespmem:s21+$0x20] =	vst v14;
	v19 =	vmul.f32 v12, v7;
	v14 =	vld [tilespmem:s21+$0xA0]  }
0xe6: {  	s15 =	sadd.s32 $0x1, s25;
	v18 =	vand.u32 $0xFFFFFFFC, v10;
	v10 =	vmov s14;
	[tilespmem:s21+$0x30] =	vst v15;
	v16 =	vmul.f32 v11, v7;
	v12 =	vld [tilespmem:s21+$0xB0]  }
0xe7: {  	s14 =	sadd.s32 $0x2, s25;
	s25 =	sadd.s32 $0x4, s25;
	v11 =	vbroadcast v18, $0x0;
	v18 =	vmov s15;
	[tilespmem:s21+$0x40] =	vst v19;
	v17 =	vmul.f32 v17, v7;
	v15 =	vld [tilespmem:s21+$0xC0]  }
0xe8: {  	v19 =	vld [tilespmem:s21+$0xD0]  }
0xe9: {  	v20 =	vld [tilespmem:s21+$0xE0]  }
0xea: {  	v21 =	vmov s14;
	v22 =	vld [tilespmem:s21+$0xF0];
	v13 =	vmul.f32 v13, v8  }
0xeb: {  	v62 =	vld [tilespmem:s21+$0x100];
	[tilespmem:s21+$0x50] =	vst v16;
	v21 =	vand.u32 $0xFFFFFFFE, v21  }
0xec: {  	v18 =	vand.u32 $0xFFFFFFFD, v18;
	v10 =	vld.idx.msk [tilespmem:v10+s6+$0x0], $0xffff;
	v7 =	vmul.f32 v9, v7;
	[tilespmem:s21+$0x90] =	vst v13;
	v13 =	vbroadcast v21, $0x0  }
0xed: {  	s25 =	sadd.s32 $0x240, s21;
	v18 =	vbroadcast v18, $0x0;
	v9 =	vld.idx.msk [tilespmem:v11+s6+$0x0], $0xffff;
	[tilespmem:s21+$0x60] =	vst v17;
	v14 =	vmul.f32 v14, v8  }
0xee: {  	v16 =	vld [tilespmem:s25+$0xFFFFFEE0];
	[tilespmem:s21+$0x70] =	vst v7;
	v11 =	vmul.f32 v12, v8  }
0xef: {  	[tilespmem:s21+$0xA0] =	vst v14;
	v14 =	vld [tilespmem:s21+$0x110];
	v7 =	vmul.f32 v15, v8  }
0xf0: {  	v17 =	vld [tilespmem:s25+$0xFFFFFEF0];
	[tilespmem:s21+$0xB0] =	vst v11;
	v11 =	vmul.f32 v19, v8  }
0xf1: {  	v15 =	vld [tilespmem:s25+$0x80];
	[tilespmem:s21+$0xC0] =	vst v7;
	v7 =	vmul.f32 v20, v8  }
0xf2: {  	[tilespmem:s21+$0xD0] =	vst v11;
	v11 =	vmul.f32 v22, v8;
	v13 =	vld.idx.msk [tilespmem:v13+s6+$0x0], $0xffff  }
0xf3: {  	v12 =	vld.idx.msk [tilespmem:v18+s6+$0x0], $0xffff;
	[tilespmem:s22+$0xE0] =	vst v7;
	v7 =	vmul.f32 v62, v8  }
0xf4: {  	v18 =	vld [tilespmem:s25+$0xFFFFFF00];
	[tilespmem:s22+$0xF0] =	vst v11;
	v8 =	vmul.f32 v14, v8  }
0xf5: {  	v11 =	vld [tilespmem:s25+$0xFFFFFF10];
	[tilespmem:s22+$0x100] =	vst v7  }
0xf6: {  	v7 =	vld [tilespmem:s25+$0xFFFFFF20];
	[tilespmem:s22+$0x110] =	vst v8;
	v8 =	vmul.f32 v16, v9  }
0xf7: {  	v14 =	vmul.f32 v15, v13;
	v15 =	vld [tilespmem:s25+$0xFFFFFF30]  }
0xf8: {  	v16 =	vmul.f32 v17, v9;
	v17 =	vld [tilespmem:s25+$0xFFFFFF40];
	[tilespmem:s25+$0xFFFFFEE0] =	vst v8  }
0xf9: {  	v8 =	vmul.f32 v18, v9;
	[tilespmem:s25+$0x80] =	vst v14;
	v14 =	vld [tilespmem:s25+$0xFFFFFF50]  }
0xfa: {  	[tilespmem:s25+$0xFFFFFEF0] =	vst v16;
	v16 =	vld [tilespmem:s25+$0xFFFFFF60];
	v11 =	vmul.f32 v11, v9  }
0xfb: {  	[tilespmem:s25+$0xFFFFFF00] =	vst v8;
	v7 =	vmul.f32 v7, v9;
	v8 =	vld [tilespmem:s25+$0xFFFFFF70]  }
0xfc: {  	[tilespmem:s25+$0xFFFFFF10] =	vst v11;
	v11 =	vmul.f32 v15, v9;
	v15 =	vld [tilespmem:s25+$0xFFFFFF80]  }
0xfd: {  	[tilespmem:s25+$0xFFFFFF20] =	vst v7;
	v7 =	vmul.f32 v17, v9;
	v17 =	vld [tilespmem:s25+$0xFFFFFF90]  }
0xfe: {  	[tilespmem:s25+$0xFFFFFF30] =	vst v11;
	v11 =	vmul.f32 v14, v9;
	v14 =	vld [tilespmem:s25+$0xFFFFFFA0]  }
0xff: {  	[tilespmem:s25+$0xFFFFFF40] =	vst v7;
	v7 =	vmul.f32 v16, v9;
	v9 =	vld [tilespmem:s25+$0xFFFFFFB0]  }
0x100: {  	v8 =	vmul.f32 v8, v12;
	[tilespmem:s25+$0xFFFFFF50] =	vst v11;
	v11 =	vld [tilespmem:s25+$0xFFFFFFC0]  }
0x101: {  	[tilespmem:s25+$0xFFFFFF60] =	vst v7;
	v7 =	vmul.f32 v15, v12;
	v15 =	vld [tilespmem:s25+$0xFFFFFFD0]  }
0x102: {  	v16 =	vld [tilespmem:s25+$0xFFFFFFE0];
	[tilespmem:s25+$0xFFFFFF70] =	vst v8;
	v8 =	vmul.f32 v17, v12  }
0x103: {  	[tilespmem:s25+$0xFFFFFF80] =	vst v7;
	v7 =	vmul.f32 v14, v12;
	v14 =	vld [tilespmem:s25+$0xFFFFFFF0]  }
0x104: {  	[tilespmem:s25+$0xFFFFFF90] =	vst v8;
	v8 =	vmul.f32 v9, v12;
	v9 =	vld [tilespmem:s25+$0x0]  }
0x105: {  	[tilespmem:s25+$0xFFFFFFA0] =	vst v7;
	v7 =	vmul.f32 v11, v12;
	v11 =	vld [tilespmem:s25+$0x10]  }
0x106: {  	[tilespmem:s25+$0xFFFFFFB0] =	vst v8;
	v8 =	vmul.f32 v15, v12;
	v15 =	vld [tilespmem:s25+$0x20]  }
0x107: {  	[tilespmem:s25+$0xFFFFFFC0] =	vst v7;
	v7 =	vmul.f32 v16, v12;
	v16 =	vld [tilespmem:s25+$0x30]  }
0x108: {  	[tilespmem:s25+$0xFFFFFFD0] =	vst v8;
	v8 =	vmul.f32 v14, v12;
	v12 =	vld [tilespmem:s25+$0x40]  }
0x109: {  	[tilespmem:s25+$0xFFFFFFE0] =	vst v7;
	v7 =	vmul.f32 v9, v13;
	v9 =	vld [tilespmem:s25+$0x50]  }
0x10a: {  	[tilespmem:s25+$0xFFFFFFF0] =	vst v8;
	v8 =	vmul.f32 v11, v13;
	v11 =	vld [tilespmem:s25+$0x60]  }
0x10b: {  	v14 =	vld [tilespmem:s25+$0x70];
	[tilespmem:s25+$0x0] =	vst v7;
	v7 =	vmul.f32 v15, v13  }
0x10c: {  	v15 =	vld [tilespmem:s25+$0x90];
	[tilespmem:s25+$0x10] =	vst v8;
	v8 =	vmul.f32 v16, v13  }
0x10d: {  	[tilespmem:s25+$0x20] =	vst v7;
	v7 =	vmul.f32 v12, v13;
	v12 =	vld [tilespmem:s25+$0xA0]  }
0x10e: {  	[tilespmem:s25+$0x30] =	vst v8;
	v8 =	vmul.f32 v9, v13;
	v9 =	vld [tilespmem:s25+$0xB0]  }
0x10f: {  	[tilespmem:s25+$0x40] =	vst v7;
	v7 =	vmul.f32 v11, v13;
	v11 =	vld [tilespmem:s25+$0xC0]  }
0x110: {  	[tilespmem:s25+$0x50] =	vst v8;
	v8 =	vmul.f32 v14, v13;
	v13 =	vld [tilespmem:s25+$0xD0]  }
0x111: {  	v14 =	vld [tilespmem:s25+$0xE0];
	[tilespmem:s25+$0x60] =	vst v7;
	v7 =	vmul.f32 v15, v10  }
0x112: {  	[tilespmem:s25+$0x70] =	vst v8;
	v8 =	vmul.f32 v12, v10;
	v12 =	vld [tilespmem:s25+$0xF0]  }
0x113: {  	[tilespmem:s25+$0x90] =	vst v7;
	v7 =	vmul.f32 v9, v10;
	v9 =	vld [tilespmem:s25+$0x100]  }
0x114: {  	[tilespmem:s25+$0xA0] =	vst v8;
	v8 =	vmul.f32 v11, v10;
	v11 =	vld [tilespmem:s25+$0x110]  }
0x115: {  	[tilespmem:s25+$0xB0] =	vst v7;
	v7 =	vmul.f32 v13, v10  }
0x116: {  	[tilespmem:s25+$0xC0] =	vst v8;
	v8 =	vmul.f32 v14, v10  }
0x117: {  	[tilespmem:s25+$0xD0] =	vst v7;
	v7 =	vmul.f32 v12, v10  }
0x118: {  	[tilespmem:s25+$0xE0] =	vst v8;
	v8 =	vmul.f32 v9, v10  }
0x119: {  	[tilespmem:s25+$0xF0] =	vst v7;
	v7 =	vmul.f32 v11, v10  }
0x11a: {  	[tilespmem:s25+$0x100] =	vst v8  }
0x11b: {  	[tilespmem:s25+$0x110] =	vst v7  }
0x11c: {  	v7 =	vld [tilespmem:$0x2790]  }
0x11d: {  	v8 =	vld [tilespmem:$0x27A0]  }
0x11e: {  	v9 =	vld [tilespmem:$0x27B0]  }
0x11f: {  	v10 =	vld [tilespmem:$0x27C0]  }
0x120: {  	v11 =	vld [tilespmem:$0x27D0]  }
0x121: {  	[tilespmem:$0x8370] =	vst v7  }
0x122: {  	s21 =	smul.u32 $0xF0, s20;
	[tilespmem:$0x8380] =	vst v8  }
0x123: {  	[tilespmem:$0x8390] =	vst v9  }
0x124: {  	s14 =	sshrl.u32 s21, $0x3;
	[tilespmem:$0x83A0] =	vst v10  }
0x125: {  	s14 =	sadd.s32 s1, s14;
	[tilespmem:$0x83B0] =	vst v11  }
0x126: {  	[spmem:s2] =	stream.indirect.scatter.add.f32 [tilespmem:s28], [sflag:$0x5], $0x90, s7, s30, $0xb8;
	[tilespmem:$0x1EC10] =	vst v63  }
0x127: {  	s14 =	sadd.s32 $0x3C, s14;
	s22 =	simm.s32 $0x0  }
0x128: {  	[tilespmem:s29], [sflag:$0x3] =	stream.linear.gather [hbm4b:s14+s22], $0xF0, $0x38;
	[tilespmem:$0x1EC10] =	vst v63  }
0x129: {  	_ =	swait.ge [sflag:s9], $0x2D00  }
0x12a: {  	[sflag:s9] =	ssyncset.done $0x0  }
0x12b: {  	[sflag:s9] =	ssyncadd.s32 $0xFFFFD300  }
0x12c: {  	_ =	swait.ge [sflag:s10], $0xF0  }
0x12d: {  	[sflag:s10] =	ssyncset.done $0x0  }
0x12e: {  	[sflag:s10] =	ssyncadd.s32 $0xFFFFFF10  }
0x12f: {  	_ =	swait.ge [sflag:s11], $0x2D00  }
0x130: {  	[sflag:s11] =	ssyncset.done $0x0  }
0x131: {  	[sflag:s11] =	ssyncadd.s32 $0xFFFFD300  }
0x132: {  	[tilespmem:s28], [sflag:$0x1] =	stream.indirect.gather [hbm4b:s5+s30], $0x90, s29, s30, $0xb8;
	[tilespmem:$0x1EC10] =	vst v63  }
0x133: {  	v7 =	vld [tilespmem:$0x2880]  }
0x134: {  	v8 =	vld [tilespmem:$0x28D0]  }
0x135: {  	v9 =	vld [tilespmem:$0x2890]  }
0x136: {  	v10 =	vld [tilespmem:$0x28E0]  }
0x137: {  	v11 =	vld.idx.msk [tilespmem:v1+s3+$0x0], $0xffff  }
0x138: {  	v12 =	vld.idx.msk [tilespmem:v2+s3+$0x0], $0xffff  }
0x139: {  	v13 =	vld [tilespmem:$0x28A0]  }
0x13a: {  	v14 =	vld [tilespmem:$0x28F0]  }
0x13b: {  	v15 =	vld [tilespmem:$0x28B0]  }
0x13c: {  	v16 =	vld.idx.msk [tilespmem:v3+s3+$0x0], $0xffff  }
0x13d: {  	v17 =	vld [tilespmem:$0x28C0]  }
0x13e: {  	v18 =	vld [tilespmem:$0x2900]  }
0x13f: {  	v19 =	vld [tilespmem:$0x2910]  }
0x140: {  	v20 =	vld.idx.msk [tilespmem:v4+s3+$0x0], $0xffff  }
0x141: {  	v63 =	vld.idx.msk [tilespmem:v5+s3+$0x0], $0xffff  }
0x142: {  	v7 =	vld.idx.msk [tilespmem:v7+s26+$0x0], $0xffff  }
0x143: {  	v8 =	vld.idx.msk [tilespmem:v8+s22+$0x0], $0xffff  }
0x144: {  	v9 =	vld.idx.msk [tilespmem:v9+s26+$0x0], $0xffff  }
0x145: {  	v10 =	vld.idx.msk [tilespmem:v10+s22+$0x0], $0xffff  }
0x146: {  	v13 =	vld.idx.msk [tilespmem:v13+s26+$0x0], $0xffff  }
0x147: {  	v14 =	vld.idx.msk [tilespmem:v14+s22+$0x0], $0xffff  }
0x148: {  	v15 =	vld.idx.msk [tilespmem:v15+s26+$0x0], $0xffff  }
0x149: {  	v17 =	vld.idx.msk [tilespmem:v17+s26+$0x0], $0xffff  }
0x14a: {  	v7 =	vadd.f32 v7, v11;
	v11 =	vld.idx.msk [tilespmem:v18+s22+$0x0], $0xffff  }
0x14b: {  	v9 =	vadd.f32 v9, v12;
	v12 =	vld.idx.msk [tilespmem:v19+s22+$0x0], $0xffff  }
0x14c: {  	v7 =	vadd.f32 v8, v7;
	v8 =	vadd.f32 v13, v16  }
0x14d: {  	v9 =	vadd.f32 v10, v9;
	v10 =	vadd.f32 v15, v20  }
0x14e: {  	v13 =	vmul.f32 $2.000000030e-01, v7;
	v8 =	vadd.f32 v14, v8;
	v14 =	vadd.f32 v17, v63  }
0x14f: {  	v15 =	vmul.f32 $2.000000030e-01, v9;
	v10 =	vadd.f32 v11, v10  }
0x150: {  	v7 =	vmax.f32 v7, v13;
	v11 =	vmul.f32 $2.000000030e-01, v8;
	v12 =	vadd.f32 v12, v14  }
0x151: {  	v9 =	vmax.f32 v9, v15;
	v7 =	vsub.f32 v7, v6;
	v13 =	vmul.f32 $2.000000030e-01, v10  }
0x152: {  	v9 =	vsub.f32 v9, v6;
	v8 =	vmax.f32 v8, v11;
	v11 =	vmul.f32 $2.000000030e-01, v12  }
0x153: {  	v7 =	vmul.f32 $1.442695020e+00, v7;
	v8 =	vsub.f32 v8, v6;
	v10 =	vmax.f32 v10, v13  }
0x154: {  	v9 =	vmul.f32 $1.442695020e+00, v9;
	v10 =	vsub.f32 v10, v6;
	v11 =	vmax.f32 v12, v11  }
0x155: {  	(erf) = vpow2.f32 v7;
	v7 =	vmul.f32 $1.442695020e+00, v8;
	v8 =	vsub.f32 v11, v6  }
0x156: {  	(erf) = vpow2.f32 v9;
	v9 =	vmul.f32 $1.442695020e+00, v10  }
0x157: {  	(erf) = vpow2.f32 v7;
	v7 =	vmul.f32 $1.442695020e+00, v8  }
0x158: {  	(erf) = vpow2.f32 v9  }
0x159: {  	(erf) = vpow2.f32 v7;
	_ =	sdelay $0x2  }
0x15a: {  	s25 =	simm.s32 $0x2;
	v7 =	vmov s22  }
0x15b: {  	v8 =	vmov s25;
	v7 =	vand.u32 $0xFFFFFFFC, v7  }
0x15c: {  	v8 =	vand.u32 $0xFFFFFFFE, v8;
	v7 =	vbroadcast v7, $0x0;
	v9 =	vpop (erf)  }
0x15d: {  	v8 =	vbroadcast v8, $0x0;
	v10 =	vpop (erf);
	[tilespmem:$0x8320] =	vst v9  }
0x15e: {  	v9 =	vpop (erf);
	[tilespmem:$0x8330] =	vst v10  }
0x15f: {  	v10 =	vpop (erf);
	[tilespmem:$0x8340] =	vst v9  }
0x160: {  	[tilespmem:$0x8350] =	vst v10;
	v9 =	vpop (erf)  }
0x161: {  	s15 =	simm.s32 $0x1;
	[tilespmem:$0x8360] =	vst v9  }
0x162: {  	v11 =	vmov s15;
	v9 =	vld.idx.msk [tilespmem:v7+s6+$0x0], $0xffff  }
0x163: {  	s20 =	simm.s32 $0x5740;
	v11 =	vand.u32 $0xFFFFFFFD, v11;
	v7 =	vld.idx.msk [tilespmem:v8+s6+$0x0], $0xffff  }
0x164: {  	v11 =	vbroadcast v11, $0x0;
	v8 =	vld [tilespmem:s20+$0x80]  }
0x165: {  	v10 =	vld [tilespmem:s20+$0xFFFFFEE0]  }
0x166: {  	v12 =	vld [tilespmem:s20+$0xFFFFFEF0]  }
0x167: {  	v13 =	vld [tilespmem:s20+$0xFFFFFF00]  }
0x168: {  	v14 =	vld [tilespmem:s20+$0xFFFFFF10]  }
0x169: {  	v17 =	vld [tilespmem:s20+$0xFFFFFF40]  }
0x16a: {  	v11 =	vld.idx.msk [tilespmem:v11+s6+$0x0], $0xffff  }
0x16b: {  	v19 =	vld [tilespmem:s20+$0xFFFFFF80];
	v10 =	vmul.f32 v10, v9  }
0x16c: {  	v15 =	vld [tilespmem:s20+$0xFFFFFF20];
	v12 =	vmul.f32 v12, v9  }
0x16d: {  	v16 =	vld [tilespmem:s20+$0xFFFFFF30];
	v8 =	vmul.f32 v8, v7;
	[tilespmem:s20+$0xFFFFFEE0] =	vst v10  }
0x16e: {  	v18 =	vld [tilespmem:s20+$0xFFFFFF70];
	v13 =	vmul.f32 v13, v9;
	[tilespmem:s20+$0xFFFFFEF0] =	vst v12  }
0x16f: {  	v17 =	vmul.f32 v17, v9;
	v10 =	vld [tilespmem:s20+$0xFFFFFF50];
	[tilespmem:s20+$0x80] =	vst v8  }
0x170: {  	v19 =	vmul.f32 v19, v11;
	v12 =	vld [tilespmem:s20+$0xFFFFFF60];
	[tilespmem:s20+$0xFFFFFF00] =	vst v13  }
0x171: {  	v8 =	vmul.f32 v14, v9;
	v14 =	vld [tilespmem:s20+$0xFFFFFF90];
	[tilespmem:s20+$0xFFFFFF40] =	vst v17  }
0x172: {  	v13 =	vmul.f32 v15, v9;
	v15 =	vld [tilespmem:s20+$0xFFFFFFA0];
	[tilespmem:s20+$0xFFFFFF80] =	vst v19  }
0x173: {  	v17 =	vld [tilespmem:s20+$0x20];
	[tilespmem:s20+$0xFFFFFF10] =	vst v8;
	v8 =	vmul.f32 v16, v9  }
0x174: {  	v16 =	vld [tilespmem:s20+$0xFFFFFFB0];
	[tilespmem:s20+$0xFFFFFF20] =	vst v13;
	v13 =	vmul.f32 v18, v11  }
0x175: {  	v18 =	vld [tilespmem:s20+$0xFFFFFFC0];
	[tilespmem:s20+$0xFFFFFF30] =	vst v8;
	v10 =	vmul.f32 v10, v9  }
0x176: {  	v8 =	vld [tilespmem:s20+$0xFFFFFFD0];
	[tilespmem:s20+$0xFFFFFF70] =	vst v13;
	v9 =	vmul.f32 v12, v9  }
0x177: {  	v13 =	vld [tilespmem:s20+$0xFFFFFFE0];
	[tilespmem:s20+$0xFFFFFF50] =	vst v10;
	v10 =	vmul.f32 v14, v11  }
0x178: {  	v12 =	vld [tilespmem:s20+$0xFFFFFFF0];
	[tilespmem:s20+$0xFFFFFF60] =	vst v9;
	v9 =	vmul.f32 v15, v11  }
0x179: {  	v14 =	vld [tilespmem:s20+$0x0];
	[tilespmem:s20+$0xFFFFFF90] =	vst v10;
	v10 =	vmul.f32 v16, v11  }
0x17a: {  	s21 =	simm.s32 $0x3;
	v15 =	vld [tilespmem:s20+$0x10];
	[tilespmem:s20+$0xFFFFFFA0] =	vst v9;
	v9 =	vmul.f32 v18, v11  }
0x17b: {  	v19 =	vld [tilespmem:s20+$0x60];
	v16 =	vmov s21;
	v8 =	vmul.f32 v8, v11;
	[tilespmem:s20+$0xFFFFFFB0] =	vst v10  }
0x17c: {  	v10 =	vld [tilespmem:s20+$0x30];
	[tilespmem:s20+$0xFFFFFFC0] =	vst v9;
	v9 =	vmul.f32 v13, v11  }
0x17d: {  	v13 =	vld [tilespmem:s20+$0x40];
	[tilespmem:s20+$0xFFFFFFD0] =	vst v8;
	v11 =	vmul.f32 v12, v11  }
0x17e: {  	v18 =	vld [tilespmem:s20+$0x50];
	v14 =	vmul.f32 v14, v7;
	[tilespmem:s20+$0xFFFFFFE0] =	vst v9  }
0x17f: {  	v12 =	vmul.f32 v15, v7;
	[tilespmem:s20+$0xFFFFFFF0] =	vst v11;
	v9 =	vld [tilespmem:s20+$0x70]  }
0x180: {  	v11 =	vmul.f32 v17, v7;
	v8 =	vld.idx.msk [tilespmem:v16+s6+$0x0], $0xffff;
	[tilespmem:s20+$0x0] =	vst v14  }
0x181: {  	s22 =	simm.s32 $0x4;
	[tilespmem:s20+$0x10] =	vst v12;
	v14 =	vld [tilespmem:s20+$0x90];
	v12 =	vmul.f32 v10, v7  }
0x182: {  	[tilespmem:s20+$0x20] =	vst v11;
	v10 =	vmov s22;
	v15 =	vmul.f32 v13, v7;
	v13 =	vld [tilespmem:s20+$0xA0]  }
0x183: {  	s15 =	simm.s32 $0x5;
	s25 =	simm.s32 $0x7;
	v17 =	vmul.f32 v19, v7;
	v16 =	vmul.f32 v18, v7;
	v11 =	vand.u32 $0xFFFFFFFC, v10;
	[tilespmem:s20+$0x30] =	vst v12;
	v12 =	vld [tilespmem:s20+$0xB0]  }
0x184: {  	s14 =	simm.s32 $0x6;
	s21 =	simm.s32 $0x5740;
	v18 =	vmov s15;
	s22 =	simm.s32 $0x8;
	v10 =	vmov s25;
	v11 =	vbroadcast v11, $0x0;
	[tilespmem:s20+$0x40] =	vst v15;
	v15 =	vld [tilespmem:s20+$0xC0]  }
.LBB2_7:
0x185: {  	p0 =	slt.u32 s22, $0x4C;
	v18 =	vand.u32 $0xFFFFFFFD, v18;
	v19 =	vmov s14;
	[tilespmem:s20+$0x50] =	vst v16;
	v7 =	vmul.f32 v9, v7;
	v9 =	vld [tilespmem:s20+$0xD0]  }
0x186: {  	v16 =	vbroadcast v18, $0x0;
	v18 =	vand.u32 $0xFFFFFFFE, v19;
	[tilespmem:s20+$0x60] =	vst v17;
	v14 =	vmul.f32 v14, v8;
	v17 =	vld [tilespmem:s20+$0xE0]  }
0x187: {  	v18 =	vbroadcast v18, $0x0;
	[tilespmem:s20+$0x70] =	vst v7;
	v7 =	vmul.f32 v13, v8;
	v13 =	vld [tilespmem:s20+$0xF0]  }
0x188: {  	[tilespmem:s20+$0x90] =	vst v14;
	v12 =	vmul.f32 v12, v8;
	v14 =	vld [tilespmem:s20+$0x100]  }
0x189: {  	[tilespmem:s20+$0xA0] =	vst v7;
	v7 =	vmul.f32 v15, v8;
	v15 =	vld [tilespmem:s20+$0x110]  }
0x18a: {  	v10 =	vld.idx.msk [tilespmem:v10+s6+$0x0], $0xffff;
	[tilespmem:s20+$0xB0] =	vst v12;
	v9 =	vmul.f32 v9, v8  }
0x18b: {  	v11 =	vld.idx.msk [tilespmem:v11+s6+$0x0], $0xffff;
	[tilespmem:s20+$0xC0] =	vst v7;
	v12 =	vmul.f32 v17, v8  }
0x18c: {  	v16 =	vld.idx.msk [tilespmem:v16+s6+$0x0], $0xffff;
	[tilespmem:s20+$0xD0] =	vst v9;
	v9 =	vmul.f32 v13, v8  }
0x18d: {  	s20 =	sadd.s32 $0x240, s20;
	v7 =	vld.idx.msk [tilespmem:v18+s6+$0x0], $0xffff;
	[tilespmem:s21+$0xE0] =	vst v12;
	v12 =	vmul.f32 v14, v8  }
0x18e: {  	v13 =	vld [tilespmem:s20+$0x80];
	[tilespmem:s21+$0xF0] =	vst v9;
	v14 =	vmul.f32 v15, v8  }
0x18f: {  	v9 =	vld [tilespmem:s20+$0xFFFFFEE0];
	[tilespmem:s21+$0x100] =	vst v12  }
0x190: {  	v8 =	vmov v10;
	v12 =	vld [tilespmem:s20+$0xFFFFFEF0];
	[tilespmem:s21+$0x110] =	vst v14;
	s21 =	smov.u32 s20  }
0x191: {  	v10 =	vld [tilespmem:s20+$0xFFFFFF00]  }
0x192: {  	v14 =	vld [tilespmem:s20+$0xFFFFFF10]  }
0x193: {  	v15 =	vld [tilespmem:s20+$0xFFFFFF20];
	v13 =	vmul.f32 v13, v7  }
0x194: {  	v9 =	vmul.f32 v9, v11;
	v17 =	vld [tilespmem:s20+$0xFFFFFF30]  }
0x195: {  	v12 =	vmul.f32 v12, v11;
	v18 =	vld [tilespmem:s20+$0xFFFFFF40];
	[tilespmem:s20+$0x80] =	vst v13  }
0x196: {  	[tilespmem:s20+$0xFFFFFEE0] =	vst v9;
	v9 =	vmul.f32 v10, v11;
	v10 =	vld [tilespmem:s20+$0xFFFFFF50]  }
0x197: {  	[tilespmem:s20+$0xFFFFFEF0] =	vst v12;
	v12 =	vmul.f32 v14, v11;
	v13 =	vld [tilespmem:s20+$0xFFFFFF60]  }
0x198: {  	[tilespmem:s20+$0xFFFFFF00] =	vst v9;
	v9 =	vmul.f32 v15, v11;
	v14 =	vld [tilespmem:s20+$0xFFFFFF70]  }
0x199: {  	[tilespmem:s20+$0xFFFFFF10] =	vst v12;
	v12 =	vmul.f32 v17, v11;
	v15 =	vld [tilespmem:s20+$0xFFFFFF80]  }
0x19a: {  	[tilespmem:s20+$0xFFFFFF20] =	vst v9;
	v9 =	vmul.f32 v18, v11;
	v17 =	vld [tilespmem:s20+$0xFFFFFF90]  }
0x19b: {  	[tilespmem:s20+$0xFFFFFF30] =	vst v12;
	v10 =	vmul.f32 v10, v11;
	v12 =	vld [tilespmem:s20+$0xFFFFFFA0]  }
0x19c: {  	[tilespmem:s20+$0xFFFFFF40] =	vst v9;
	v9 =	vmul.f32 v13, v11;
	v11 =	vld [tilespmem:s20+$0xFFFFFFB0]  }
0x19d: {  	[tilespmem:s20+$0xFFFFFF50] =	vst v10;
	v10 =	vmul.f32 v14, v16;
	v13 =	vld [tilespmem:s20+$0xFFFFFFC0]  }
0x19e: {  	[tilespmem:s20+$0xFFFFFF60] =	vst v9;
	v9 =	vmul.f32 v15, v16;
	v14 =	vld [tilespmem:s20+$0xFFFFFFD0]  }
0x19f: {  	[tilespmem:s20+$0xFFFFFF70] =	vst v10;
	v10 =	vmul.f32 v17, v16;
	v15 =	vld [tilespmem:s20+$0xFFFFFFE0]  }
0x1a0: {  	[tilespmem:s20+$0xFFFFFF80] =	vst v9;
	v9 =	vmul.f32 v12, v16;
	v12 =	vld [tilespmem:s20+$0xFFFFFFF0]  }
0x1a1: {  	[tilespmem:s20+$0xFFFFFF90] =	vst v10;
	v10 =	vmul.f32 v11, v16;
	v11 =	vld [tilespmem:s20+$0x0]  }
0x1a2: {  	[tilespmem:s20+$0xFFFFFFA0] =	vst v9;
	v9 =	vmul.f32 v13, v16;
	v13 =	vld [tilespmem:s20+$0x10]  }
0x1a3: {  	[tilespmem:s20+$0xFFFFFFB0] =	vst v10;
	v10 =	vmul.f32 v14, v16;
	v14 =	vld [tilespmem:s20+$0x20]  }
0x1a4: {  	[tilespmem:s20+$0xFFFFFFC0] =	vst v9;
	v9 =	vmul.f32 v15, v16;
	v15 =	vld [tilespmem:s20+$0x30]  }
0x1a5: {  	[tilespmem:s20+$0xFFFFFFD0] =	vst v10;
	v10 =	vmul.f32 v12, v16;
	v12 =	vld [tilespmem:s20+$0x40]  }
0x1a6: {  	[tilespmem:s20+$0xFFFFFFE0] =	vst v9;
	v9 =	vmul.f32 v11, v7;
	v11 =	vld [tilespmem:s20+$0x50]  }
0x1a7: {  	[tilespmem:s20+$0xFFFFFFF0] =	vst v10;
	v10 =	vmul.f32 v13, v7;
	v17 =	vld [tilespmem:s20+$0x60]  }
.Ltmp2:
0x1a8: {  	[tilespmem:s20+$0x0] =	vst v9;
	v13 =	vmul.f32 v14, v7;
	v9 =	vld [tilespmem:s20+$0x70];
	(pc) =	sbr.rel @p0 .LBB2_7-.Ltmp2, $4  }
0x1a9: {  	[tilespmem:s20+$0x10] =	vst v10;
	v15 =	vmul.f32 v15, v7;
	v14 =	vld [tilespmem:s20+$0x90]  }
0x1aa: {  	s14 =	sadd.s32 $0x3, s22;
	v10 =	vmov s22;
	[tilespmem:s20+$0x20] =	vst v13;
	v19 =	vmul.f32 v12, v7;
	v13 =	vld [tilespmem:s20+$0xA0]  }
0x1ab: {  	s15 =	sadd.s32 $0x1, s22;
	v18 =	vand.u32 $0xFFFFFFFC, v10;
	v10 =	vmov s14;
	[tilespmem:s20+$0x30] =	vst v15;
	v16 =	vmul.f32 v11, v7;
	v12 =	vld [tilespmem:s20+$0xB0]  }
0x1ac: {  	s14 =	sadd.s32 $0x2, s22;
	s22 =	sadd.s32 $0x4, s22;
	v11 =	vbroadcast v18, $0x0;
	v18 =	vmov s15;
	[tilespmem:s20+$0x40] =	vst v19;
	v17 =	vmul.f32 v17, v7;
	v15 =	vld [tilespmem:s20+$0xC0]  }
0x1ad: {  	v19 =	vld [tilespmem:s20+$0xD0]  }
0x1ae: {  	v20 =	vld [tilespmem:s20+$0xE0]  }
0x1af: {  	v22 =	vld [tilespmem:s20+$0xF0]  }
0x1b0: {  	v57 =	vld [tilespmem:s20+$0x100]  }
0x1b1: {  	v58 =	vld [tilespmem:s20+$0x110];
	[tilespmem:s20+$0x50] =	vst v16;
	v7 =	vmul.f32 v9, v7  }
0x1b2: {  	v10 =	vld.idx.msk [tilespmem:v10+s6+$0x0], $0xffff;
	v14 =	vmul.f32 v14, v8;
	[tilespmem:s20+$0x60] =	vst v17  }
0x1b3: {  	s22 =	sadd.s32 $0x240, s20;
	v59 =	vld.idx.msk [tilespmem:v11+s6+$0x0], $0xffff;
	v13 =	vmul.f32 v13, v8;
	[tilespmem:s20+$0x70] =	vst v7  }
0x1b4: {  	v63 =	vld [tilespmem:s22+$0x80];
	[tilespmem:s20+$0x90] =	vst v14;
	v60 =	vmul.f32 v12, v8  }
0x1b5: {  	v23 =	vld [tilespmem:s22+$0xFFFFFEE0];
	[tilespmem:s20+$0xA0] =	vst v13;
	v7 =	vmul.f32 v15, v8  }
0x1b6: {  	v21 =	vmov s14;
	v25 =	vld [tilespmem:s22+$0xFFFFFEF0];
	[tilespmem:s20+$0xB0] =	vst v60;
	v62 =	vmul.f32 v19, v8  }
0x1b7: {  	v21 =	vand.u32 $0xFFFFFFFE, v21;
	v26 =	vld [tilespmem:s22+$0xFFFFFF00];
	[tilespmem:s20+$0xC0] =	vst v7;
	v7 =	vmul.f32 v20, v8  }
0x1b8: {  	v18 =	vand.u32 $0xFFFFFFFD, v18;
	v27 =	vld [tilespmem:s22+$0xFFFFFF10];
	v56 =	vbroadcast v21, $0x0;
	v24 =	vmul.f32 v22, v8;
	[tilespmem:s20+$0xD0] =	vst v62  }
0x1b9: {  	v18 =	vbroadcast v18, $0x0;
	v29 =	vld [tilespmem:s22+$0xFFFFFF30];
	[tilespmem:s21+$0xE0] =	vst v7;
	v7 =	vmul.f32 v57, v8  }
0x1ba: {  	v31 =	vld [tilespmem:s22+$0xFFFFFF40];
	[tilespmem:s21+$0xF0] =	vst v24;
	v8 =	vmul.f32 v58, v8  }
0x1bb: {  	v30 =	vmul.f32 v25, v59;
	[tilespmem:s21+$0x100] =	vst v7;
	v7 =	vld [tilespmem:s22+$0xFFFFFF20]  }
0x1bc: {  	v32 =	vld [tilespmem:s22+$0xFFFFFF50];
	[tilespmem:s21+$0x110] =	vst v8;
	v8 =	vmul.f32 v23, v59  }
0x1bd: {  	v33 =	vld [tilespmem:s22+$0xFFFFFF60];
	v11 =	vmul.f32 v27, v59;
	[tilespmem:s22+$0xFFFFFEF0] =	vst v30  }
0x1be: {  	v14 =	vld.idx.msk [tilespmem:v56+s6+$0x0], $0xffff;
	[tilespmem:s22+$0xFFFFFEE0] =	vst v8;
	v8 =	vmul.f32 v26, v59  }
0x1bf: {  	v34 =	vmul.f32 v29, v59;
	v61 =	vld.idx.msk [tilespmem:v18+s6+$0x0], $0xffff;
	[tilespmem:s22+$0xFFFFFF10] =	vst v11  }
0x1c0: {  	[tilespmem:s22+$0xFFFFFF00] =	vst v8;
	v8 =	vld [tilespmem:s22+$0xFFFFFF70];
	v7 =	vmul.f32 v7, v59  }
0x1c1: {  	v35 =	vld [tilespmem:s22+$0xFFFFFF80];
	v37 =	vmul.f32 v32, v59;
	[tilespmem:s22+$0xFFFFFF30] =	vst v34  }
0x1c2: {  	v36 =	vld [tilespmem:s22+$0xFFFFFF90];
	[tilespmem:s22+$0xFFFFFF20] =	vst v7;
	v7 =	vmul.f32 v31, v59  }
0x1c3: {  	v38 =	vld [tilespmem:s22+$0xFFFFFFA0];
	[tilespmem:s22+$0xFFFFFF50] =	vst v37;
	v28 =	vmul.f32 v63, v14  }
0x1c4: {  	v39 =	vld [tilespmem:s22+$0xFFFFFFB0];
	[tilespmem:s22+$0xFFFFFF40] =	vst v7;
	v7 =	vmul.f32 v33, v59  }
0x1c5: {  	v40 =	vld [tilespmem:s22+$0xFFFFFFC0];
	[tilespmem:s22+$0x80] =	vst v28;
	v8 =	vmul.f32 v8, v61  }
0x1c6: {  	v41 =	vld [tilespmem:s22+$0xFFFFFFD0];
	[tilespmem:s22+$0xFFFFFF60] =	vst v7;
	v7 =	vmul.f32 v35, v61  }
0x1c7: {  	v42 =	vld [tilespmem:s22+$0xFFFFFFE0];
	[tilespmem:s22+$0xFFFFFF70] =	vst v8;
	v8 =	vmul.f32 v36, v61  }
0x1c8: {  	v43 =	vld [tilespmem:s22+$0xFFFFFFF0];
	[tilespmem:s22+$0xFFFFFF80] =	vst v7;
	v7 =	vmul.f32 v38, v61  }
0x1c9: {  	v44 =	vld [tilespmem:s22+$0x0];
	[tilespmem:s22+$0xFFFFFF90] =	vst v8;
	v8 =	vmul.f32 v39, v61  }
0x1ca: {  	v45 =	vld [tilespmem:s22+$0x10];
	[tilespmem:s22+$0xFFFFFFA0] =	vst v7;
	v7 =	vmul.f32 v40, v61  }
0x1cb: {  	v46 =	vld [tilespmem:s22+$0x20];
	[tilespmem:s22+$0xFFFFFFB0] =	vst v8;
	v8 =	vmul.f32 v41, v61  }
0x1cc: {  	v47 =	vld [tilespmem:s22+$0x30];
	[tilespmem:s22+$0xFFFFFFC0] =	vst v7;
	v7 =	vmul.f32 v42, v61  }
0x1cd: {  	v48 =	vld [tilespmem:s22+$0x40];
	[tilespmem:s22+$0xFFFFFFD0] =	vst v8;
	v8 =	vmul.f32 v43, v61  }
0x1ce: {  	v49 =	vld [tilespmem:s22+$0x50];
	[tilespmem:s22+$0xFFFFFFE0] =	vst v7;
	v7 =	vmul.f32 v44, v14  }
0x1cf: {  	v50 =	vld [tilespmem:s22+$0x60];
	[tilespmem:s22+$0xFFFFFFF0] =	vst v8;
	v8 =	vmul.f32 v45, v14  }
0x1d0: {  	v51 =	vld [tilespmem:s22+$0x70];
	[tilespmem:s22+$0x0] =	vst v7;
	v7 =	vmul.f32 v46, v14  }
0x1d1: {  	v52 =	vld [tilespmem:s22+$0x90];
	[tilespmem:s22+$0x10] =	vst v8;
	v8 =	vmul.f32 v47, v14  }
0x1d2: {  	v53 =	vld [tilespmem:s22+$0xA0];
	[tilespmem:s22+$0x20] =	vst v7;
	v7 =	vmul.f32 v48, v14  }
0x1d3: {  	v54 =	vld [tilespmem:s22+$0xB0];
	[tilespmem:s22+$0x30] =	vst v8;
	v8 =	vmul.f32 v49, v14  }
0x1d4: {  	v55 =	vld [tilespmem:s22+$0xC0];
	[tilespmem:s22+$0x40] =	vst v7;
	v7 =	vmul.f32 v50, v14  }
0x1d5: {  	v56 =	vld [tilespmem:s22+$0xD0];
	[tilespmem:s22+$0x50] =	vst v8;
	v8 =	vmul.f32 v51, v14  }
0x1d6: {  	v57 =	vld [tilespmem:s22+$0xE0];
	[tilespmem:s22+$0x60] =	vst v7;
	v7 =	vmul.f32 v52, v10  }
0x1d7: {  	v58 =	vld [tilespmem:s22+$0xF0];
	[tilespmem:s22+$0x70] =	vst v8;
	v8 =	vmul.f32 v53, v10  }
0x1d8: {  	v59 =	vld [tilespmem:s22+$0x100];
	[tilespmem:s22+$0x90] =	vst v7;
	v7 =	vmul.f32 v54, v10  }
0x1d9: {  	v60 =	vld [tilespmem:s22+$0x110];
	[tilespmem:s22+$0xA0] =	vst v8;
	v8 =	vmul.f32 v55, v10  }
0x1da: {  	[tilespmem:s22+$0xB0] =	vst v7;
	v7 =	vmul.f32 v56, v10  }
0x1db: {  	[tilespmem:s22+$0xC0] =	vst v8;
	v8 =	vmul.f32 v57, v10  }
0x1dc: {  	[tilespmem:s22+$0xD0] =	vst v7;
	v7 =	vmul.f32 v58, v10  }
0x1dd: {  	[tilespmem:s22+$0xE0] =	vst v8;
	v8 =	vmul.f32 v59, v10  }
0x1de: {  	[tilespmem:s22+$0xF0] =	vst v7;
	v7 =	vmul.f32 v60, v10  }
0x1df: {  	[tilespmem:s22+$0x100] =	vst v8  }
0x1e0: {  	[tilespmem:s22+$0x110] =	vst v7  }
0x1e1: {  	v7 =	vld [tilespmem:$0x2880]  }
0x1e2: {  	v8 =	vld [tilespmem:$0x2890]  }
0x1e3: {  	v61 =	vld [tilespmem:$0x28A0]  }
0x1e4: {  	v62 =	vld [tilespmem:$0x28B0]  }
0x1e5: {  	v63 =	vld [tilespmem:$0x28C0]  }
0x1e6: {  	p0 =	seq.s32 s18, $0x3D;
	[tilespmem:$0x83C0] =	vst v7  }
.Ltmp3:
0x1e7: {  	[tilespmem:$0x83D0] =	vst v8;
	(pc) =	sbr.rel @p0 .LBB2_10-.Ltmp3, $4  }
0x1e8: {  	[tilespmem:$0x83E0] =	vst v61  }
0x1e9: {  	[tilespmem:$0x83F0] =	vst v62  }
0x1ea: {  	[tilespmem:$0x8400] =	vst v63  }
0x1eb: {  	[spmem:s2] =	stream.indirect.scatter.add.f32 [tilespmem:s3], [sflag:$0x6], $0x90, s13, s30, $0xb8;
	[tilespmem:$0x1EC10] =	vst v63  }
0x1ec: {  	s14 =	sadd.s32 s19, s12  }
0x1ed: {  	s14 =	smul.u32 $0xF0, s14  }
.Ltmp4:
0x1ee: {  	_ = 	snop;
	(pc) =	sbr.rel .LBB2_4-.Ltmp4, $4  }
0x1ef: {  	s14 =	sshrl.u32 s14, $0x3  }
0x1f0: {  	s14 =	sadd.s32 s1, s14  }
0x1f1: {  	s18 =	sadd.s32 $0x1, s18;
	s14 =	sadd.s32 $0x3C, s14  }
0x1f2: {  	[tilespmem:s31], [sflag:$0x4] =	stream.linear.gather [hbm4b:s14+s4], $0xF0, $0x38;
	[tilespmem:$0x1EC10] =	vst v63  }
.LBB2_10:
0x1f3: {  	s14 =	simm.s32 $0x6  }
0x1f4: {  	_ =	swait.ge [sflag:s14], $0x2D00  }
0x1f5: {  	[sflag:s14] =	ssyncset.done $0x0  }
0x1f6: {  	[sflag:s14] =	ssyncadd.s32 $0xFFFFD300  }
0x1f7: {  	_ =	swait.ge [sflag:s0], $0x2D00  }
0x1f8: {  	[sflag:s0] =	ssyncset.done $0x0  }
0x1f9: {  	[sflag:s0] =	ssyncadd.s32 $0xFFFFD300  }
0x1fa: {  	v7 =	vld [tilespmem:$0x2790]  }
0x1fb: {  	v8 =	vld [tilespmem:$0x27E0]  }
0x1fc: {  	v9 =	vld [tilespmem:$0x27A0]  }
0x1fd: {  	v10 =	vld [tilespmem:$0x27F0]  }
0x1fe: {  	v11 =	vld.idx.msk [tilespmem:v1+s28+$0x0], $0xffff  }
0x1ff: {  	v12 =	vld.idx.msk [tilespmem:v2+s28+$0x0], $0xffff  }
0x200: {  	v13 =	vld [tilespmem:$0x27B0]  }
0x201: {  	v14 =	vld [tilespmem:$0x2800]  }
0x202: {  	v15 =	vld [tilespmem:$0x27C0]  }
0x203: {  	v16 =	vld.idx.msk [tilespmem:v3+s28+$0x0], $0xffff  }
0x204: {  	v17 =	vld [tilespmem:$0x27D0]  }
0x205: {  	v18 =	vld [tilespmem:$0x2810]  }
0x206: {  	v19 =	vld [tilespmem:$0x2820]  }
0x207: {  	v20 =	vld.idx.msk [tilespmem:v4+s28+$0x0], $0xffff  }
0x208: {  	v21 =	vld.idx.msk [tilespmem:v5+s28+$0x0], $0xffff  }
0x209: {  	s18 =	simm.s32 $0x0;
	v7 =	vld.idx.msk [tilespmem:v7+s26+$0x0], $0xffff  }
0x20a: {  	v8 =	vld.idx.msk [tilespmem:v8+s18+$0x0], $0xffff  }
0x20b: {  	v9 =	vld.idx.msk [tilespmem:v9+s26+$0x0], $0xffff  }
0x20c: {  	v10 =	vld.idx.msk [tilespmem:v10+s18+$0x0], $0xffff  }
0x20d: {  	v13 =	vld.idx.msk [tilespmem:v13+s26+$0x0], $0xffff  }
0x20e: {  	v14 =	vld.idx.msk [tilespmem:v14+s18+$0x0], $0xffff  }
0x20f: {  	v15 =	vld.idx.msk [tilespmem:v15+s26+$0x0], $0xffff  }
0x210: {  	v17 =	vld.idx.msk [tilespmem:v17+s26+$0x0], $0xffff  }
0x211: {  	v7 =	vadd.f32 v7, v11;
	v11 =	vld.idx.msk [tilespmem:v18+s18+$0x0], $0xffff  }
0x212: {  	v9 =	vadd.f32 v9, v12;
	v12 =	vld.idx.msk [tilespmem:v19+s18+$0x0], $0xffff  }
0x213: {  	v7 =	vadd.f32 v8, v7;
	v8 =	vadd.f32 v13, v16  }
0x214: {  	v9 =	vadd.f32 v10, v9;
	v10 =	vadd.f32 v15, v20  }
0x215: {  	v13 =	vmul.f32 $2.000000030e-01, v7;
	v8 =	vadd.f32 v14, v8;
	v14 =	vadd.f32 v17, v21  }
0x216: {  	v15 =	vmul.f32 $2.000000030e-01, v9;
	v10 =	vadd.f32 v11, v10  }
0x217: {  	v7 =	vmax.f32 v7, v13;
	v11 =	vmul.f32 $2.000000030e-01, v8;
	v12 =	vadd.f32 v12, v14  }
0x218: {  	v9 =	vmax.f32 v9, v15;
	v7 =	vsub.f32 v7, v6;
	v13 =	vmul.f32 $2.000000030e-01, v10  }
0x219: {  	v9 =	vsub.f32 v9, v6;
	v8 =	vmax.f32 v8, v11;
	v11 =	vmul.f32 $2.000000030e-01, v12  }
0x21a: {  	v7 =	vmul.f32 $1.442695020e+00, v7;
	v8 =	vsub.f32 v8, v6;
	v10 =	vmax.f32 v10, v13  }
0x21b: {  	v9 =	vmul.f32 $1.442695020e+00, v9;
	v10 =	vsub.f32 v10, v6;
	v11 =	vmax.f32 v12, v11  }
0x21c: {  	(erf) = vpow2.f32 v7;
	v7 =	vmul.f32 $1.442695020e+00, v8;
	v6 =	vsub.f32 v11, v6  }
0x21d: {  	(erf) = vpow2.f32 v9;
	v8 =	vmul.f32 $1.442695020e+00, v10  }
0x21e: {  	(erf) = vpow2.f32 v7;
	v6 =	vmul.f32 $1.442695020e+00, v6  }
0x21f: {  	(erf) = vpow2.f32 v8  }
0x220: {  	(erf) = vpow2.f32 v6;
	_ =	sdelay $0x2  }
0x221: {  	s19 =	simm.s32 $0x2;
	v6 =	vmov s18  }
0x222: {  	v7 =	vmov s19;
	v6 =	vand.u32 $0xFFFFFFFC, v6  }
0x223: {  	v7 =	vand.u32 $0xFFFFFFFE, v7;
	v6 =	vbroadcast v6, $0x0;
	v8 =	vpop (erf)  }
0x224: {  	v7 =	vbroadcast v7, $0x0;
	v9 =	vpop (erf);
	[tilespmem:$0x8320] =	vst v8  }
0x225: {  	v8 =	vpop (erf);
	[tilespmem:$0x8330] =	vst v9  }
0x226: {  	v9 =	vpop (erf);
	[tilespmem:$0x8340] =	vst v8  }
0x227: {  	[tilespmem:$0x8350] =	vst v9;
	v8 =	vpop (erf)  }
0x228: {  	[tilespmem:$0x8360] =	vst v8  }
0x229: {  	v8 =	vld.idx.msk [tilespmem:v6+s6+$0x0], $0xffff  }
0x22a: {  	s17 =	simm.s32 $0x2A40;
	s20 =	simm.s32 $0x1;
	v6 =	vld.idx.msk [tilespmem:v7+s6+$0x0], $0xffff  }
0x22b: {  	v10 =	vmov s20;
	v7 =	vld [tilespmem:s17+$0x80]  }
0x22c: {  	v10 =	vand.u32 $0xFFFFFFFD, v10;
	v9 =	vld [tilespmem:s17+$0xFFFFFEE0]  }
0x22d: {  	v10 =	vbroadcast v10, $0x0;
	v11 =	vld [tilespmem:s17+$0xFFFFFEF0]  }
0x22e: {  	v12 =	vld [tilespmem:s17+$0xFFFFFF00]  }
0x22f: {  	v13 =	vld [tilespmem:s17+$0xFFFFFF10]  }
0x230: {  	v14 =	vld [tilespmem:s17+$0xFFFFFF20]  }
0x231: {  	v16 =	vld [tilespmem:s17+$0xFFFFFF40]  }
0x232: {  	v15 =	vld [tilespmem:s17+$0xFFFFFF30];
	v9 =	vmul.f32 v9, v8  }
0x233: {  	v10 =	vld.idx.msk [tilespmem:v10+s6+$0x0], $0xffff;
	v11 =	vmul.f32 v11, v8  }
0x234: {  	v17 =	vld [tilespmem:s17+$0xFFFFFF70];
	v7 =	vmul.f32 v7, v6;
	[tilespmem:s17+$0xFFFFFEE0] =	vst v9  }
0x235: {  	v18 =	vld [tilespmem:s17+$0xFFFFFF80];
	v12 =	vmul.f32 v12, v8;
	[tilespmem:s17+$0xFFFFFEF0] =	vst v11  }
0x236: {  	v16 =	vmul.f32 v16, v8;
	v9 =	vld [tilespmem:s17+$0xFFFFFF50];
	[tilespmem:s17+$0x80] =	vst v7  }
0x237: {  	v11 =	vld [tilespmem:s17+$0xFFFFFF60];
	[tilespmem:s17+$0xFFFFFF00] =	vst v12;
	v12 =	vmul.f32 v14, v8  }
0x238: {  	v7 =	vmul.f32 v13, v8;
	v13 =	vld [tilespmem:s17+$0xFFFFFF90];
	[tilespmem:s17+$0xFFFFFF40] =	vst v16  }
0x239: {  	v14 =	vld [tilespmem:s17+$0xFFFFFFA0];
	[tilespmem:s17+$0xFFFFFF20] =	vst v12;
	v12 =	vmul.f32 v17, v10  }
0x23a: {  	v16 =	vld [tilespmem:s17+$0xFFFFFFE0];
	[tilespmem:s17+$0xFFFFFF10] =	vst v7;
	v7 =	vmul.f32 v15, v8  }
0x23b: {  	v15 =	vld [tilespmem:s17+$0xFFFFFFB0];
	[tilespmem:s17+$0xFFFFFF70] =	vst v12;
	v12 =	vmul.f32 v18, v10  }
0x23c: {  	v17 =	vld [tilespmem:s17+$0xFFFFFFC0];
	[tilespmem:s17+$0xFFFFFF30] =	vst v7;
	v9 =	vmul.f32 v9, v8  }
0x23d: {  	v7 =	vld [tilespmem:s17+$0xFFFFFFD0];
	v8 =	vmul.f32 v11, v8;
	[tilespmem:s17+$0xFFFFFF80] =	vst v12  }
0x23e: {  	v18 =	vld [tilespmem:s17+$0x60];
	[tilespmem:s17+$0xFFFFFF50] =	vst v9;
	v9 =	vmul.f32 v13, v10  }
0x23f: {  	v12 =	vld [tilespmem:s17+$0x0];
	[tilespmem:s17+$0xFFFFFF60] =	vst v8;
	v8 =	vmul.f32 v14, v10  }
0x240: {  	s21 =	simm.s32 $0x3;
	v11 =	vld [tilespmem:s17+$0xFFFFFFF0];
	[tilespmem:s17+$0xFFFFFF90] =	vst v9;
	v9 =	vmul.f32 v15, v10  }
0x241: {  	v13 =	vld [tilespmem:s17+$0x10];
	v14 =	vmov s21;
	[tilespmem:s17+$0xFFFFFFA0] =	vst v8;
	v8 =	vmul.f32 v17, v10  }
0x242: {  	v15 =	vld [tilespmem:s17+$0x20];
	v7 =	vmul.f32 v7, v10;
	[tilespmem:s17+$0xFFFFFFB0] =	vst v9  }
0x243: {  	v9 =	vld [tilespmem:s17+$0x30];
	[tilespmem:s17+$0xFFFFFFC0] =	vst v8;
	v8 =	vmul.f32 v16, v10  }
0x244: {  	v16 =	vld [tilespmem:s17+$0x40];
	[tilespmem:s17+$0xFFFFFFD0] =	vst v7;
	v12 =	vmul.f32 v12, v6  }
0x245: {  	v17 =	vld [tilespmem:s17+$0x50];
	v10 =	vmul.f32 v11, v10;
	[tilespmem:s17+$0xFFFFFFE0] =	vst v8  }
0x246: {  	v7 =	vld.idx.msk [tilespmem:v14+s6+$0x0], $0xffff;
	v11 =	vmul.f32 v13, v6;
	[tilespmem:s17+$0x0] =	vst v12  }
0x247: {  	[tilespmem:s17+$0xFFFFFFF0] =	vst v10;
	v8 =	vld [tilespmem:s17+$0x70];
	v10 =	vmul.f32 v15, v6  }
0x248: {  	s22 =	simm.s32 $0x4;
	v13 =	vld [tilespmem:s17+$0x90];
	[tilespmem:s17+$0x10] =	vst v11;
	v11 =	vmul.f32 v9, v6  }
0x249: {  	s15 =	simm.s32 $0x5;
	v12 =	vld [tilespmem:s17+$0xA0];
	v9 =	vmov s22;
	[tilespmem:s17+$0x20] =	vst v10;
	v14 =	vmul.f32 v16, v6  }
0x24a: {  	s25 =	simm.s32 $0x7;
	v15 =	vmul.f32 v17, v6;
	v17 =	vmov s15;
	v10 =	vand.u32 $0xFFFFFFFC, v9;
	[tilespmem:s17+$0x30] =	vst v11;
	v11 =	vld [tilespmem:s17+$0xB0]  }
0x24b: {  	s14 =	simm.s32 $0x6;
	s19 =	simm.s32 $0x8;
	s18 =	simm.s32 $0x2A40;
	v16 =	vmul.f32 v18, v6;
	v9 =	vmov s25;
	v10 =	vbroadcast v10, $0x0;
	[tilespmem:s17+$0x40] =	vst v14;
	v14 =	vld [tilespmem:s17+$0xC0]  }
.LBB2_11:
0x24c: {  	p0 =	slt.u32 s19, $0x4C;
	v17 =	vand.u32 $0xFFFFFFFD, v17;
	v18 =	vmov s14;
	[tilespmem:s17+$0x50] =	vst v15;
	v6 =	vmul.f32 v8, v6;
	v8 =	vld [tilespmem:s17+$0xD0]  }
0x24d: {  	v15 =	vbroadcast v17, $0x0;
	v17 =	vand.u32 $0xFFFFFFFE, v18;
	[tilespmem:s17+$0x60] =	vst v16;
	v13 =	vmul.f32 v13, v7;
	v16 =	vld [tilespmem:s17+$0xE0]  }
0x24e: {  	v17 =	vbroadcast v17, $0x0;
	[tilespmem:s17+$0x70] =	vst v6;
	v6 =	vmul.f32 v12, v7;
	v12 =	vld [tilespmem:s17+$0xF0]  }
0x24f: {  	[tilespmem:s17+$0x90] =	vst v13;
	v11 =	vmul.f32 v11, v7;
	v13 =	vld [tilespmem:s17+$0x100]  }
0x250: {  	[tilespmem:s17+$0xA0] =	vst v6;
	v6 =	vmul.f32 v14, v7;
	v14 =	vld [tilespmem:s17+$0x110]  }
0x251: {  	v9 =	vld.idx.msk [tilespmem:v9+s6+$0x0], $0xffff;
	[tilespmem:s17+$0xB0] =	vst v11;
	v8 =	vmul.f32 v8, v7  }
0x252: {  	v10 =	vld.idx.msk [tilespmem:v10+s6+$0x0], $0xffff;
	[tilespmem:s17+$0xC0] =	vst v6;
	v11 =	vmul.f32 v16, v7  }
0x253: {  	v15 =	vld.idx.msk [tilespmem:v15+s6+$0x0], $0xffff;
	[tilespmem:s17+$0xD0] =	vst v8;
	v8 =	vmul.f32 v12, v7  }
0x254: {  	s17 =	sadd.s32 $0x240, s17;
	v6 =	vld.idx.msk [tilespmem:v17+s6+$0x0], $0xffff;
	[tilespmem:s18+$0xE0] =	vst v11;
	v11 =	vmul.f32 v13, v7  }
0x255: {  	v12 =	vld [tilespmem:s17+$0x80];
	[tilespmem:s18+$0xF0] =	vst v8;
	v13 =	vmul.f32 v14, v7  }
0x256: {  	v8 =	vld [tilespmem:s17+$0xFFFFFEE0];
	[tilespmem:s18+$0x100] =	vst v11  }
0x257: {  	v7 =	vmov v9;
	v11 =	vld [tilespmem:s17+$0xFFFFFEF0];
	[tilespmem:s18+$0x110] =	vst v13;
	s18 =	smov.u32 s17  }
0x258: {  	v9 =	vld [tilespmem:s17+$0xFFFFFF00]  }
0x259: {  	v13 =	vld [tilespmem:s17+$0xFFFFFF10]  }
0x25a: {  	v14 =	vld [tilespmem:s17+$0xFFFFFF20];
	v12 =	vmul.f32 v12, v6  }
0x25b: {  	v8 =	vmul.f32 v8, v10;
	v16 =	vld [tilespmem:s17+$0xFFFFFF30]  }
0x25c: {  	v11 =	vmul.f32 v11, v10;
	v17 =	vld [tilespmem:s17+$0xFFFFFF40];
	[tilespmem:s17+$0x80] =	vst v12  }
0x25d: {  	[tilespmem:s17+$0xFFFFFEE0] =	vst v8;
	v8 =	vmul.f32 v9, v10;
	v9 =	vld [tilespmem:s17+$0xFFFFFF50]  }
0x25e: {  	[tilespmem:s17+$0xFFFFFEF0] =	vst v11;
	v11 =	vmul.f32 v13, v10;
	v12 =	vld [tilespmem:s17+$0xFFFFFF60]  }
0x25f: {  	[tilespmem:s17+$0xFFFFFF00] =	vst v8;
	v8 =	vmul.f32 v14, v10;
	v13 =	vld [tilespmem:s17+$0xFFFFFF70]  }
0x260: {  	[tilespmem:s17+$0xFFFFFF10] =	vst v11;
	v11 =	vmul.f32 v16, v10;
	v14 =	vld [tilespmem:s17+$0xFFFFFF80]  }
0x261: {  	[tilespmem:s17+$0xFFFFFF20] =	vst v8;
	v8 =	vmul.f32 v17, v10;
	v16 =	vld [tilespmem:s17+$0xFFFFFF90]  }
0x262: {  	[tilespmem:s17+$0xFFFFFF30] =	vst v11;
	v9 =	vmul.f32 v9, v10;
	v11 =	vld [tilespmem:s17+$0xFFFFFFA0]  }
0x263: {  	[tilespmem:s17+$0xFFFFFF40] =	vst v8;
	v8 =	vmul.f32 v12, v10;
	v10 =	vld [tilespmem:s17+$0xFFFFFFB0]  }
0x264: {  	[tilespmem:s17+$0xFFFFFF50] =	vst v9;
	v9 =	vmul.f32 v13, v15;
	v12 =	vld [tilespmem:s17+$0xFFFFFFC0]  }
0x265: {  	[tilespmem:s17+$0xFFFFFF60] =	vst v8;
	v8 =	vmul.f32 v14, v15;
	v13 =	vld [tilespmem:s17+$0xFFFFFFD0]  }
0x266: {  	[tilespmem:s17+$0xFFFFFF70] =	vst v9;
	v9 =	vmul.f32 v16, v15;
	v14 =	vld [tilespmem:s17+$0xFFFFFFE0]  }
0x267: {  	[tilespmem:s17+$0xFFFFFF80] =	vst v8;
	v8 =	vmul.f32 v11, v15;
	v11 =	vld [tilespmem:s17+$0xFFFFFFF0]  }
0x268: {  	[tilespmem:s17+$0xFFFFFF90] =	vst v9;
	v9 =	vmul.f32 v10, v15;
	v10 =	vld [tilespmem:s17+$0x0]  }
0x269: {  	[tilespmem:s17+$0xFFFFFFA0] =	vst v8;
	v8 =	vmul.f32 v12, v15;
	v12 =	vld [tilespmem:s17+$0x10]  }
0x26a: {  	[tilespmem:s17+$0xFFFFFFB0] =	vst v9;
	v9 =	vmul.f32 v13, v15;
	v13 =	vld [tilespmem:s17+$0x20]  }
0x26b: {  	[tilespmem:s17+$0xFFFFFFC0] =	vst v8;
	v8 =	vmul.f32 v14, v15;
	v14 =	vld [tilespmem:s17+$0x30]  }
0x26c: {  	[tilespmem:s17+$0xFFFFFFD0] =	vst v9;
	v9 =	vmul.f32 v11, v15;
	v11 =	vld [tilespmem:s17+$0x40]  }
0x26d: {  	[tilespmem:s17+$0xFFFFFFE0] =	vst v8;
	v8 =	vmul.f32 v10, v6;
	v10 =	vld [tilespmem:s17+$0x50]  }
0x26e: {  	[tilespmem:s17+$0xFFFFFFF0] =	vst v9;
	v9 =	vmul.f32 v12, v6;
	v16 =	vld [tilespmem:s17+$0x60]  }
.Ltmp5:
0x26f: {  	[tilespmem:s17+$0x0] =	vst v8;
	v12 =	vmul.f32 v13, v6;
	v8 =	vld [tilespmem:s17+$0x70];
	(pc) =	sbr.rel @p0 .LBB2_11-.Ltmp5, $4  }
0x270: {  	[tilespmem:s17+$0x10] =	vst v9;
	v14 =	vmul.f32 v14, v6;
	v13 =	vld [tilespmem:s17+$0x90]  }
0x271: {  	s14 =	sadd.s32 $0x3, s19;
	v9 =	vmov s19;
	[tilespmem:s17+$0x20] =	vst v12;
	v18 =	vmul.f32 v11, v6;
	v12 =	vld [tilespmem:s17+$0xA0]  }
0x272: {  	s15 =	sadd.s32 $0x1, s19;
	v17 =	vand.u32 $0xFFFFFFFC, v9;
	v9 =	vmov s14;
	[tilespmem:s17+$0x30] =	vst v14;
	v15 =	vmul.f32 v10, v6;
	v11 =	vld [tilespmem:s17+$0xB0]  }
0x273: {  	s14 =	sadd.s32 $0x2, s19;
	s19 =	sadd.s32 $0x4, s19;
	v10 =	vbroadcast v17, $0x0;
	v17 =	vmov s15;
	[tilespmem:s17+$0x40] =	vst v18;
	v16 =	vmul.f32 v16, v6;
	v14 =	vld [tilespmem:s17+$0xC0]  }
0x274: {  	v18 =	vld [tilespmem:s17+$0xD0]  }
0x275: {  	v19 =	vld [tilespmem:s17+$0xE0]  }
0x276: {  	v21 =	vld [tilespmem:s17+$0xF0]  }
0x277: {  	v59 =	vld [tilespmem:s17+$0x100]  }
0x278: {  	v60 =	vld [tilespmem:s17+$0x110];
	[tilespmem:s17+$0x50] =	vst v15;
	v6 =	vmul.f32 v8, v6  }
0x279: {  	v9 =	vld.idx.msk [tilespmem:v9+s6+$0x0], $0xffff;
	v13 =	vmul.f32 v13, v7;
	[tilespmem:s17+$0x60] =	vst v16  }
0x27a: {  	s19 =	sadd.s32 $0x240, s17;
	v61 =	vld.idx.msk [tilespmem:v10+s6+$0x0], $0xffff;
	v12 =	vmul.f32 v12, v7;
	[tilespmem:s17+$0x70] =	vst v6  }
0x27b: {  	v22 =	vld [tilespmem:s19+$0x80];
	[tilespmem:s17+$0x90] =	vst v13;
	v62 =	vmul.f32 v11, v7  }
0x27c: {  	v23 =	vld [tilespmem:s19+$0xFFFFFEE0];
	[tilespmem:s17+$0xA0] =	vst v12;
	v6 =	vmul.f32 v14, v7  }
0x27d: {  	v20 =	vmov s14;
	v25 =	vld [tilespmem:s19+$0xFFFFFEF0];
	[tilespmem:s17+$0xB0] =	vst v62;
	v18 =	vmul.f32 v18, v7  }
0x27e: {  	v20 =	vand.u32 $0xFFFFFFFE, v20;
	v26 =	vld [tilespmem:s19+$0xFFFFFF00];
	[tilespmem:s17+$0xC0] =	vst v6;
	v6 =	vmul.f32 v19, v7  }
0x27f: {  	v17 =	vand.u32 $0xFFFFFFFD, v17;
	v27 =	vld [tilespmem:s19+$0xFFFFFF10];
	v58 =	vbroadcast v20, $0x0;
	v24 =	vmul.f32 v21, v7;
	[tilespmem:s17+$0xD0] =	vst v18  }
0x280: {  	v17 =	vbroadcast v17, $0x0;
	v29 =	vld [tilespmem:s19+$0xFFFFFF30];
	[tilespmem:s18+$0xE0] =	vst v6;
	v6 =	vmul.f32 v59, v7  }
0x281: {  	v31 =	vld [tilespmem:s19+$0xFFFFFF40];
	[tilespmem:s18+$0xF0] =	vst v24;
	v7 =	vmul.f32 v60, v7  }
0x282: {  	v30 =	vmul.f32 v25, v61;
	[tilespmem:s18+$0x100] =	vst v6;
	v6 =	vld [tilespmem:s19+$0xFFFFFF20]  }
0x283: {  	v32 =	vld [tilespmem:s19+$0xFFFFFF50];
	[tilespmem:s18+$0x110] =	vst v7;
	v7 =	vmul.f32 v23, v61  }
0x284: {  	v33 =	vld [tilespmem:s19+$0xFFFFFF60];
	v10 =	vmul.f32 v27, v61;
	[tilespmem:s19+$0xFFFFFEF0] =	vst v30  }
0x285: {  	v13 =	vld.idx.msk [tilespmem:v58+s6+$0x0], $0xffff;
	[tilespmem:s19+$0xFFFFFEE0] =	vst v7;
	v7 =	vmul.f32 v26, v61  }
0x286: {  	v34 =	vmul.f32 v29, v61;
	v63 =	vld.idx.msk [tilespmem:v17+s6+$0x0], $0xffff;
	[tilespmem:s19+$0xFFFFFF10] =	vst v10  }
0x287: {  	[tilespmem:s19+$0xFFFFFF00] =	vst v7;
	v7 =	vld [tilespmem:s19+$0xFFFFFF70];
	v6 =	vmul.f32 v6, v61  }
0x288: {  	v35 =	vld [tilespmem:s19+$0xFFFFFF80];
	v37 =	vmul.f32 v32, v61;
	[tilespmem:s19+$0xFFFFFF30] =	vst v34  }
0x289: {  	v36 =	vld [tilespmem:s19+$0xFFFFFF90];
	[tilespmem:s19+$0xFFFFFF20] =	vst v6;
	v6 =	vmul.f32 v31, v61  }
0x28a: {  	v38 =	vld [tilespmem:s19+$0xFFFFFFA0];
	[tilespmem:s19+$0xFFFFFF50] =	vst v37;
	v28 =	vmul.f32 v22, v13  }
0x28b: {  	v39 =	vld [tilespmem:s19+$0xFFFFFFB0];
	[tilespmem:s19+$0xFFFFFF40] =	vst v6;
	v6 =	vmul.f32 v33, v61  }
0x28c: {  	v40 =	vld [tilespmem:s19+$0xFFFFFFC0];
	[tilespmem:s19+$0x80] =	vst v28;
	v7 =	vmul.f32 v7, v63  }
0x28d: {  	v41 =	vld [tilespmem:s19+$0xFFFFFFD0];
	[tilespmem:s19+$0xFFFFFF60] =	vst v6;
	v6 =	vmul.f32 v35, v63  }
0x28e: {  	v42 =	vld [tilespmem:s19+$0xFFFFFFE0];
	[tilespmem:s19+$0xFFFFFF70] =	vst v7;
	v7 =	vmul.f32 v36, v63  }
0x28f: {  	v43 =	vld [tilespmem:s19+$0xFFFFFFF0];
	[tilespmem:s19+$0xFFFFFF80] =	vst v6;
	v6 =	vmul.f32 v38, v63  }
0x290: {  	v44 =	vld [tilespmem:s19+$0x0];
	[tilespmem:s19+$0xFFFFFF90] =	vst v7;
	v7 =	vmul.f32 v39, v63  }
0x291: {  	v45 =	vld [tilespmem:s19+$0x10];
	[tilespmem:s19+$0xFFFFFFA0] =	vst v6;
	v6 =	vmul.f32 v40, v63  }
0x292: {  	v46 =	vld [tilespmem:s19+$0x20];
	[tilespmem:s19+$0xFFFFFFB0] =	vst v7;
	v7 =	vmul.f32 v41, v63  }
0x293: {  	v47 =	vld [tilespmem:s19+$0x30];
	[tilespmem:s19+$0xFFFFFFC0] =	vst v6;
	v6 =	vmul.f32 v42, v63  }
0x294: {  	v48 =	vld [tilespmem:s19+$0x40];
	[tilespmem:s19+$0xFFFFFFD0] =	vst v7;
	v7 =	vmul.f32 v43, v63  }
0x295: {  	v49 =	vld [tilespmem:s19+$0x50];
	[tilespmem:s19+$0xFFFFFFE0] =	vst v6;
	v6 =	vmul.f32 v44, v13  }
0x296: {  	v50 =	vld [tilespmem:s19+$0x60];
	[tilespmem:s19+$0xFFFFFFF0] =	vst v7;
	v7 =	vmul.f32 v45, v13  }
0x297: {  	v51 =	vld [tilespmem:s19+$0x70];
	[tilespmem:s19+$0x0] =	vst v6;
	v6 =	vmul.f32 v46, v13  }
0x298: {  	v52 =	vld [tilespmem:s19+$0x90];
	[tilespmem:s19+$0x10] =	vst v7;
	v7 =	vmul.f32 v47, v13  }
0x299: {  	v53 =	vld [tilespmem:s19+$0xA0];
	[tilespmem:s19+$0x20] =	vst v6;
	v6 =	vmul.f32 v48, v13  }
0x29a: {  	v54 =	vld [tilespmem:s19+$0xB0];
	[tilespmem:s19+$0x30] =	vst v7;
	v7 =	vmul.f32 v49, v13  }
0x29b: {  	v55 =	vld [tilespmem:s19+$0xC0];
	[tilespmem:s19+$0x40] =	vst v6;
	v6 =	vmul.f32 v50, v13  }
0x29c: {  	v56 =	vld [tilespmem:s19+$0xD0];
	[tilespmem:s19+$0x50] =	vst v7;
	v7 =	vmul.f32 v51, v13  }
0x29d: {  	v57 =	vld [tilespmem:s19+$0xE0];
	[tilespmem:s19+$0x60] =	vst v6;
	v6 =	vmul.f32 v52, v9  }
0x29e: {  	v58 =	vld [tilespmem:s19+$0xF0];
	[tilespmem:s19+$0x70] =	vst v7;
	v7 =	vmul.f32 v53, v9  }
0x29f: {  	v59 =	vld [tilespmem:s19+$0x100];
	[tilespmem:s19+$0x90] =	vst v6;
	v6 =	vmul.f32 v54, v9  }
0x2a0: {  	v60 =	vld [tilespmem:s19+$0x110];
	[tilespmem:s19+$0xA0] =	vst v7;
	v7 =	vmul.f32 v55, v9  }
0x2a1: {  	[tilespmem:s19+$0xB0] =	vst v6;
	v6 =	vmul.f32 v56, v9  }
0x2a2: {  	[tilespmem:s19+$0xC0] =	vst v7;
	v7 =	vmul.f32 v57, v9  }
0x2a3: {  	[tilespmem:s19+$0xD0] =	vst v6;
	v6 =	vmul.f32 v58, v9  }
0x2a4: {  	[tilespmem:s19+$0xE0] =	vst v7;
	v7 =	vmul.f32 v59, v9  }
0x2a5: {  	[tilespmem:s19+$0xF0] =	vst v6;
	v6 =	vmul.f32 v60, v9  }
0x2a6: {  	[tilespmem:s19+$0x100] =	vst v7  }
0x2a7: {  	[tilespmem:s19+$0x110] =	vst v6  }
0x2a8: {  	v6 =	vld [tilespmem:$0x2790]  }
0x2a9: {  	v7 =	vld [tilespmem:$0x27A0]  }
0x2aa: {  	v61 =	vld [tilespmem:$0x27B0]  }
0x2ab: {  	v62 =	vld [tilespmem:$0x27C0]  }
0x2ac: {  	v63 =	vld [tilespmem:$0x27D0]  }
0x2ad: {  	[tilespmem:$0x8370] =	vst v6  }
0x2ae: {  	[tilespmem:$0x8380] =	vst v7  }
0x2af: {  	[tilespmem:$0x8390] =	vst v61  }
0x2b0: {  	[tilespmem:$0x83A0] =	vst v62  }
0x2b1: {  	[tilespmem:$0x83B0] =	vst v63  }
0x2b2: {  	[spmem:s2] =	stream.indirect.scatter.add.f32 [tilespmem:s28], [sflag:$0x5], $0x90, s7, s30, $0xb8;
	[tilespmem:$0x1EC10] =	vst v63  }
0x2b3: {  	_ =	swait.ge [sflag:s11], $0x2D00  }
0x2b4: {  	[sflag:s11] =	ssyncset.done $0x0  }
0x2b5: {  	[sflag:s11] =	ssyncadd.s32 $0xFFFFD300  }
0x2b6: {  	s21 =	stileid.u32;
	[bflag:$0x0] =	sbarrier.arrive $0xFFFF  }
0x2b7: {  	s14 =	sshll.u32 s21, $0x6;
	s15 =	rddreg [dreg:$0x9]  }
0x2b8: {  	s14 =	sor.u32 $0x1C07, s14;
	s22 =	rddreg [dreg:$0x13]  }
0x2b9: {  	[hbm:s15], [sflag:s14] =	dma.local [spmem:s22], $0x2D00  }
0x2ba: {  	_ =	swait.ge [sflag:s23], $0x2D00  }
0x2bb: {  	s16 =	sadd.s32 $0x1, s16;
	s25 =	rddreg [dreg:$0xb]  }
0x2bc: {  	p0 =	sne.s32 s16, s25  }
.Ltmp6:
0x2bd: {  	_ = 	snop;
	(pc) =	sbr.rel @p0 .LBB2_1-.Ltmp6, $3  }
0x2be: {  	_ =	sdelay $0x1  }
0x2bf: {  	[sflag:s23] =	ssyncset.done $0x0  }
0x2c0: {  	[sflag:s23] =	ssyncadd.s32 $0xFFFFD300  }
0x2c1: {  	_ =	sfence.sel $0x180000  }
0x2c2: {  	[bflag:$0x0] =	sbarrier.arrive $0xFFFF  }
0x2c3: {  	_ =	strace $0x90000047  }
0x2c4: {  	s0 =	stileid.u32;
	[bflag:$0x2] =	sbarrier.arrive $0xFFFF  }
0x2c5: {  	p0 =	sne.s32 s0, $0x0;
	s0 =	rddreg [dreg:$0x3]  }
0x2c6: {  	s0 =	sadd.s32 @!p0 $0x100000, s0  }
0x2c7: {  	[sflag:s0] =	ssyncadd.tile.s32 @!p0 $0x1;
	_ =	shalt  }
.Lfunc_end2:
_tile_overlayer_lowered:
.L_overlay_start_2:
0x2c8: {  	(tag) =	ssettag $0x2  }
0x2c9: {  	s0 =	rddreg [dreg:$0x0];
	s2 =	stileid.u32  }
0x2ca: {  	s1 =	rddreg [dreg:$0x1];
	p0 =	sne.s32 s2, $0x0  }
0x2cb: {  	s3 =	rddreg [dreg:$0x2];
	[bflag:$0x3] =	sbarrier.arrive $0xFFFF;
	s2 =	simm.s32 @!p0 $0x1C07  }
0x2cc: {  	[timem:s3], [sflag:s2] =	dma.local @!p0 [hbm:s0], s1  }
0x2cd: {  	s0 =	simm.s32 @!p0 $0x7  }
0x2ce: {  	_ =	swait.ge @!p0 [sflag:s0], s1  }
0x2cf: {  	s1 =	ssub.s32 @!p0 $0x0, s1;
	[sflag:s0] =	ssyncset.done @!p0 $0x0  }
0x2d0: {  	[sflag:s0] =	ssyncadd.s32 @!p0 s1  }
0x2d1: {  	[bflag:$0x3] =	sbarrier.arrive $0xFFFF  }
0x2d2: {  	_ =	shalt  }

</sc_bundles>
